<compile_context>
chip_gen: v7x
topology: tpu7x:2x2x1
jax: 0.10.2.dev20260603
libtpu: 0.0.44.dev20260713+nightly
codegen_flags: <defaults>
</compile_context>

<pallas_src>
import jax
import jax.numpy as jnp
from jax import lax
from jax.experimental import pallas as pl
from jax.experimental.pallas import tpu as pltpu
from jax.experimental.pallas import tpu_sc as plsc

VOCAB = 1000000
EMBED_DIM = 64
BATCH = 16384
HIST = 50

_NC = 2
_NS = 16
_NW = _NC * _NS

_TOTAL = BATCH * HIST
_B_PER_W = _TOTAL // _NW
_IDX_MINOR = 128
_K = 4
_CHUNK = _K * _IDX_MINOR
_NCHUNK = _B_PER_W // _CHUNK
_IDX_ROWS = _B_PER_W // _IDX_MINOR

_DT_COLS = 16384
_DT_GRID = -(-VOCAB // _DT_COLS)
_VOCAB_PAD = _DT_GRID * _DT_COLS
_RT_B = 512

_TDN = (((0,), (0,)), ((), ()))
_TDN1 = (((1,), (1,)), ((), ()))


def _mxu_t(m, eye):
    return lax.dot_general(
        m,
        eye,
        _TDN,
        precision=lax.Precision.DEFAULT,
        preferred_element_type=jnp.float32,
    )


def _mxu_t1(eye, m):
    return lax.dot_general(
        eye,
        m,
        _TDN1,
        precision=lax.Precision.DEFAULT,
        preferred_element_type=jnp.float32,
    )


def _detile_body(l_ref, r_ref, eye_ref, o_ref):
    eye = eye_ref[...]
    left = _mxu_t(l_ref[...], eye)
    right = _mxu_t(r_ref[...], eye)
    o_ref[...] = jnp.concatenate([left, right], axis=1)


def _retile_body(g_ref, eye_ref, o_ref):
    eye = eye_ref[...]
    even = jnp.reshape(g_ref[:, 0:64], (_RT_B, HIST // 2, EMBED_DIM))
    odd = jnp.reshape(g_ref[:, 64:128], (_RT_B, HIST // 2, EMBED_DIM))
    for hh in range(HIST // 2):
        o_ref[2 * hh, :, :] = _mxu_t1(eye, even[:, hh, :])
        o_ref[2 * hh + 1, :, :] = _mxu_t1(eye, odd[:, hh, :])


def _gather_body(x_hbm, table_hbm, out_hbm, idx_v, rows_v, gsem, osem):
    wid = lax.axis_index("s") * _NC + lax.axis_index("c")
    base = wid * _B_PER_W
    pltpu.sync_copy(x_hbm.at[wid], idx_v)

    def fire(g, buf):
        for k in range(_K):
            pltpu.async_copy(
                table_hbm.at[idx_v.at[g * _K + k]],
                rows_v.at[buf].at[pl.ds(k * _IDX_MINOR, _IDX_MINOR)],
                gsem,
            )

    def drain_gather(buf):
        pltpu.make_async_copy(
            out_hbm.at[pl.ds(base, _CHUNK)], rows_v.at[buf], gsem
        ).wait()

    def drain_out(buf):
        pltpu.make_async_copy(
            rows_v.at[buf], out_hbm.at[pl.ds(base, _CHUNK)], osem
        ).wait()

    fire(0, 0)

    def step(g, carry):
        buf = g % 2
        nbuf = (g + 1) % 2

        @pl.when(g + 1 < _NCHUNK)
        def _():
            @pl.when(g >= 1)
            def _():
                drain_out(nbuf)
            fire(g + 1, nbuf)

        drain_gather(buf)
        pltpu.async_copy(
            rows_v.at[buf], out_hbm.at[pl.ds(base + g * _CHUNK, _CHUNK)], osem
        )
        return carry

    lax.fori_loop(0, _NCHUNK, step, 0)
    drain_out(0)
    drain_out(1)


@jax.jit
def kernel(x, table):
    table_t = jnp.transpose(table, (1, 0))
    half = _DT_COLS // 2
    table_lin = pl.pallas_call(
        _detile_body,
        grid=(_DT_GRID,),
        in_specs=[
            pl.BlockSpec(
                (EMBED_DIM, half),
                lambda u: (0, jnp.minimum(2 * u, VOCAB // half - 1)),
            ),
            pl.BlockSpec(
                (EMBED_DIM, half),
                lambda u: (0, jnp.minimum(2 * u + 1, VOCAB // half)),
            ),
            pl.BlockSpec((EMBED_DIM, EMBED_DIM), lambda u: (0, 0)),
        ],
        out_specs=pl.BlockSpec((half, 128), lambda u: (u, 0)),
        out_shape=jax.ShapeDtypeStruct((_VOCAB_PAD // 2, 128), jnp.float32),
    )(table_t, table_t, jnp.eye(EMBED_DIM, dtype=jnp.float32))
    table_rows = jnp.reshape(table_lin, (_VOCAB_PAD, EMBED_DIM))

    tail = (_DT_GRID - 1) * _DT_COLS
    xi = x.astype(jnp.int32)
    w = xi & (_DT_COLS - 1)
    xi = (
        (xi & ~(_DT_COLS - 1))
        | ((w & (half - 1)) << 1)
        | (w >> (half.bit_length() - 1))
    ) + (xi >= tail).astype(jnp.int32)
    x_w = jnp.reshape(xi, (_NW, _IDX_ROWS, _IDX_MINOR))
    flat = pl.kernel(
        _gather_body,
        out_type=jax.ShapeDtypeStruct((_TOTAL, EMBED_DIM), jnp.float32),
        mesh=plsc.VectorSubcoreMesh(core_axis_name="c", subcore_axis_name="s"),
        scratch_types=[
            pltpu.VMEM((_IDX_ROWS, _IDX_MINOR), jnp.int32),
            pltpu.VMEM((2, _CHUNK, EMBED_DIM), jnp.float32),
            pltpu.SemaphoreType.DMA,
            pltpu.SemaphoreType.DMA,
        ],
        compiler_params=pltpu.CompilerParams(use_tc_tiling_on_sc=False),
    )(x_w, table_rows)

    flat_p = jnp.reshape(flat, (_TOTAL // 2, 128))
    out_t = pl.pallas_call(
        _retile_body,
        grid=(BATCH // _RT_B,),
        in_specs=[
            pl.BlockSpec((_RT_B * HIST // 2, 128), lambda b: (b, 0)),
            pl.BlockSpec((EMBED_DIM, EMBED_DIM), lambda b: (0, 0)),
        ],
        out_specs=pl.BlockSpec((HIST, EMBED_DIM, _RT_B), lambda b: (0, 0, b)),
        out_shape=jax.ShapeDtypeStruct((HIST, EMBED_DIM, BATCH), jnp.float32),
    )(flat_p, jnp.eye(EMBED_DIM, dtype=jnp.float32))
    return jnp.transpose(out_t, (2, 0, 1))

# --- scband reference (transcript-rebuilt; emitter-appended) ---
"""Pipeline reference for scband-embedding-layer-62251255988912 (READ-ONLY COPY).

The authoritative reference and input builder live on the scoring server;
editing this copy changes nothing except your own understanding.
"""

import jax, jax.numpy as jnp
import numpy as np

VOCAB = 1000000
EMBED_DIM = 64
BATCH = 16384
HIST = 50

def setup_inputs(seed: int = 0) -> dict:
    key = jax.random.key(seed)
    k_idx, k_tab = jax.random.split(key)
    x = jax.random.randint(k_idx, (BATCH, HIST), 0, VOCAB, dtype=jnp.int64 if jax.config.jax_enable_x64 else jnp.int32)
    table = jax.random.normal(k_tab, (VOCAB, EMBED_DIM), dtype=jnp.float32)
    return {"x": x, "table": table}

def reference(x, table):
    # nn.Embedding forward: row gather from the embedding table
    return jnp.take(table, x, axis=0)

if __name__ == "__main__":
    import jax
    _d = setup_inputs()
    print(jax.jit(kernel)(*tuple(_d.values())))

</pallas_src>

<mosaic_0001>
#map = affine_map<(d0, d1) -> (0, 0, 0)>
#map1 = affine_map<(d0, d1) -> (0, 0)>
module attributes {stable_mosaic.version = 14 : i64} {
  func.func @_gather_body(%arg0: i32, %arg1: i32, %arg2: memref<32x200x128xi32, #tpu.memory_space<hbm>>, %arg3: memref<1015808x64xf32, #tpu.memory_space<hbm>>, %arg4: memref<819200x64xf32, #tpu.memory_space<hbm>>, %arg5: memref<200x128xi32, #tpu.memory_space<vmem>>, %arg6: memref<2x512x64xf32, #tpu.memory_space<vmem>>, %arg7: memref<!tpu.dma_semaphore, #tpu.memory_space<semaphore_mem>>, %arg8: memref<!tpu.dma_semaphore, #tpu.memory_space<semaphore_mem>>) attributes {dimension_semantics = [#tpu.dimension_semantics<core_parallel>, #tpu.dimension_semantics<subcore_parallel>], iteration_bounds = array<i64: 2, 16>, scalar_prefetch = 0 : i64, scratch_operands = 4 : i64, tpu.core_type = #tpu.core_type<sc_vector_subcore>, window_params = [{transform_indices = #map}, {transform_indices = #map1}, {transform_indices = #map1}]} {
    %mul3A = arith.constant 2 : i32
    %mul3A_0 = arith.muli %arg1, %mul3A : i32
    %add3A = arith.addi %mul3A_0, %arg0 : i32
    %mul3A_1 = arith.constant 25600 : i32
    %mul3A_2 = arith.muli %add3A, %mul3A_1 : i32
    "tpu.region"() ({
      %run_scoped3A = tpu.sem_alloc : memref<!tpu.dma_semaphore, #tpu.memory_space<semaphore_mem>>
      %dma_start3A_92 = arith.constant 0 : i32
      %dma_start3A_93 = arith.constant 0 : i32
      %dma_start3A_94 = tpu.memref_slice %arg2[%add3A, %dma_start3A_92, %dma_start3A_93] : memref<32x200x128xi32, #tpu.memory_space<hbm>> -> memref<1x200x128xi32, #tpu.memory_space<hbm>>
      %dma_start3A_95 = tpu.memref_squeeze %dma_start3A_94 : memref<1x200x128xi32, #tpu.memory_space<hbm>> -> memref<200x128xi32, #tpu.memory_space<hbm>>
      %dma_start3A_96 = arith.constant 0 : i32
      %dma_start3A_97 = arith.constant 0 : i32
      %dma_start3A_98 = tpu.memref_slice %arg2[%add3A, %dma_start3A_96, %dma_start3A_97] : memref<32x200x128xi32, #tpu.memory_space<hbm>> -> memref<1x200x128xi32, #tpu.memory_space<hbm>>
      %dma_start3A_99 = tpu.memref_squeeze %dma_start3A_98 : memref<1x200x128xi32, #tpu.memory_space<hbm>> -> memref<200x128xi32, #tpu.memory_space<hbm>>
      tpu.enqueue_dma source(%dma_start3A_99 : memref<200x128xi32, #tpu.memory_space<hbm>>) target(%arg5 : memref<200x128xi32, #tpu.memory_space<vmem>>) target_semaphore(%run_scoped3A : memref<!tpu.dma_semaphore, #tpu.memory_space<semaphore_mem>>)
      %dma_wait3A_100 = arith.constant 0 : i32
      %dma_wait3A_101 = arith.constant 0 : i32
      %dma_wait3A_102 = tpu.memref_slice %arg2[%add3A, %dma_wait3A_100, %dma_wait3A_101] : memref<32x200x128xi32, #tpu.memory_space<hbm>> -> memref<1x200x128xi32, #tpu.memory_space<hbm>>
      %dma_wait3A_103 = tpu.memref_squeeze %dma_wait3A_102 : memref<1x200x128xi32, #tpu.memory_space<hbm>> -> memref<200x128xi32, #tpu.memory_space<hbm>>
      %dma_wait3A_104 = arith.constant 0 : i32
      %dma_wait3A_105 = arith.constant 0 : i32
      %dma_wait3A_106 = tpu.memref_slice %arg2[%add3A, %dma_wait3A_104, %dma_wait3A_105] : memref<32x200x128xi32, #tpu.memory_space<hbm>> -> memref<1x200x128xi32, #tpu.memory_space<hbm>>
      %dma_wait3A_107 = tpu.memref_squeeze %dma_wait3A_106 : memref<1x200x128xi32, #tpu.memory_space<hbm>> -> memref<200x128xi32, #tpu.memory_space<hbm>>
      tpu.wait_dma2 semaphore(%run_scoped3A : memref<!tpu.dma_semaphore, #tpu.memory_space<semaphore_mem>>) src(%dma_wait3A_107 : memref<200x128xi32, #tpu.memory_space<hbm>>) dst(%arg5 : memref<200x128xi32, #tpu.memory_space<vmem>>)
      tpu.yield
    }) : () -> ()
    %dma_start3A = arith.constant 0 : i32
    %dma_start3A_3 = arith.constant 0 : i32
    %dma_start3A_4 = arith.constant 0 : i32
    %dma_start3A_5 = arith.constant 0 : i32
    %dma_start3A_6 = tpu.memref_slice %arg6[%dma_start3A_3, %dma_start3A_4, %dma_start3A_5] : memref<2x512x64xf32, #tpu.memory_space<vmem>> -> memref<1x512x64xf32, #tpu.memory_space<vmem>>
    %dma_start3A_7 = tpu.memref_squeeze %dma_start3A_6 : memref<1x512x64xf32, #tpu.memory_space<vmem>> -> memref<512x64xf32, #tpu.memory_space<vmem>>
    %dma_start3A_8 = arith.constant 0 : i32
    %dma_start3A_9 = arith.constant 0 : i32
    %dma_start3A_10 = tpu.memref_slice %dma_start3A_7[%dma_start3A_8, %dma_start3A_9] : memref<512x64xf32, #tpu.memory_space<vmem>> -> memref<128x64xf32, #tpu.memory_space<vmem>>
    %dma_start3A_11 = arith.constant 0 : i32
    %dma_start3A_12 = tpu.memref_slice %arg5[%dma_start3A, %dma_start3A_11] : memref<200x128xi32, #tpu.memory_space<vmem>> -> memref<1x128xi32, #tpu.memory_space<vmem>>
    %dma_start3A_13 = tpu.memref_squeeze %dma_start3A_12 : memref<1x128xi32, #tpu.memory_space<vmem>> -> memref<128xi32, #tpu.memory_space<vmem>>
    %dma_start3A_14 = arith.constant 0 : i32
    %dma_start3A_15 = arith.constant 0 : i32
    %dma_start3A_16 = tpu.memref_slice %arg3[%dma_start3A_14, %dma_start3A_15] : memref<1015808x64xf32, #tpu.memory_space<hbm>> -> memref<1015808x64xf32, #tpu.memory_space<hbm>>
    tpu.enqueue_indirect_dma source(%dma_start3A_16 : memref<1015808x64xf32, #tpu.memory_space<hbm>>) target(%dma_start3A_10 : memref<128x64xf32, #tpu.memory_space<vmem>>) offsets(%dma_start3A_13 : memref<128xi32, #tpu.memory_space<vmem>>) semaphore(%arg7 : memref<!tpu.dma_semaphore, #tpu.memory_space<semaphore_mem>>)
    %dma_start3A_17 = arith.constant 1 : i32
    %dma_start3A_18 = arith.constant 0 : i32
    %dma_start3A_19 = arith.constant 0 : i32
    %dma_start3A_20 = arith.constant 0 : i32
    %dma_start3A_21 = tpu.memref_slice %arg6[%dma_start3A_18, %dma_start3A_19, %dma_start3A_20] : memref<2x512x64xf32, #tpu.memory_space<vmem>> -> memref<1x512x64xf32, #tpu.memory_space<vmem>>
    %dma_start3A_22 = tpu.memref_squeeze %dma_start3A_21 : memref<1x512x64xf32, #tpu.memory_space<vmem>> -> memref<512x64xf32, #tpu.memory_space<vmem>>
    %dma_start3A_23 = arith.constant 128 : i32
    %dma_start3A_24 = arith.constant 0 : i32
    %dma_start3A_25 = tpu.memref_slice %dma_start3A_22[%dma_start3A_23, %dma_start3A_24] : memref<512x64xf32, #tpu.memory_space<vmem>> -> memref<128x64xf32, #tpu.memory_space<vmem>>
    %dma_start3A_26 = arith.constant 0 : i32
    %dma_start3A_27 = tpu.memref_slice %arg5[%dma_start3A_17, %dma_start3A_26] : memref<200x128xi32, #tpu.memory_space<vmem>> -> memref<1x128xi32, #tpu.memory_space<vmem>>
    %dma_start3A_28 = tpu.memref_squeeze %dma_start3A_27 : memref<1x128xi32, #tpu.memory_space<vmem>> -> memref<128xi32, #tpu.memory_space<vmem>>
    %dma_start3A_29 = arith.constant 0 : i32
    %dma_start3A_30 = arith.constant 0 : i32
    %dma_start3A_31 = tpu.memref_slice %arg3[%dma_start3A_29, %dma_start3A_30] : memref<1015808x64xf32, #tpu.memory_space<hbm>> -> memref<1015808x64xf32, #tpu.memory_space<hbm>>
    tpu.enqueue_indirect_dma source(%dma_start3A_31 : memref<1015808x64xf32, #tpu.memory_space<hbm>>) target(%dma_start3A_25 : memref<128x64xf32, #tpu.memory_space<vmem>>) offsets(%dma_start3A_28 : memref<128xi32, #tpu.memory_space<vmem>>) semaphore(%arg7 : memref<!tpu.dma_semaphore, #tpu.memory_space<semaphore_mem>>)
    %dma_start3A_32 = arith.constant 2 : i32
    %dma_start3A_33 = arith.constant 0 : i32
    %dma_start3A_34 = arith.constant 0 : i32
    %dma_start3A_35 = arith.constant 0 : i32
    %dma_start3A_36 = tpu.memref_slice %arg6[%dma_start3A_33, %dma_start3A_34, %dma_start3A_35] : memref<2x512x64xf32, #tpu.memory_space<vmem>> -> memref<1x512x64xf32, #tpu.memory_space<vmem>>
    %dma_start3A_37 = tpu.memref_squeeze %dma_start3A_36 : memref<1x512x64xf32, #tpu.memory_space<vmem>> -> memref<512x64xf32, #tpu.memory_space<vmem>>
    %dma_start3A_38 = arith.constant 256 : i32
    %dma_start3A_39 = arith.constant 0 : i32
    %dma_start3A_40 = tpu.memref_slice %dma_start3A_37[%dma_start3A_38, %dma_start3A_39] : memref<512x64xf32, #tpu.memory_space<vmem>> -> memref<128x64xf32, #tpu.memory_space<vmem>>
    %dma_start3A_41 = arith.constant 0 : i32
    %dma_start3A_42 = tpu.memref_slice %arg5[%dma_start3A_32, %dma_start3A_41] : memref<200x128xi32, #tpu.memory_space<vmem>> -> memref<1x128xi32, #tpu.memory_space<vmem>>
    %dma_start3A_43 = tpu.memref_squeeze %dma_start3A_42 : memref<1x128xi32, #tpu.memory_space<vmem>> -> memref<128xi32, #tpu.memory_space<vmem>>
    %dma_start3A_44 = arith.constant 0 : i32
    %dma_start3A_45 = arith.constant 0 : i32
    %dma_start3A_46 = tpu.memref_slice %arg3[%dma_start3A_44, %dma_start3A_45] : memref<1015808x64xf32, #tpu.memory_space<hbm>> -> memref<1015808x64xf32, #tpu.memory_space<hbm>>
    tpu.enqueue_indirect_dma source(%dma_start3A_46 : memref<1015808x64xf32, #tpu.memory_space<hbm>>) target(%dma_start3A_40 : memref<128x64xf32, #tpu.memory_space<vmem>>) offsets(%dma_start3A_43 : memref<128xi32, #tpu.memory_space<vmem>>) semaphore(%arg7 : memref<!tpu.dma_semaphore, #tpu.memory_space<semaphore_mem>>)
    %dma_start3A_47 = arith.constant 3 : i32
    %dma_start3A_48 = arith.constant 0 : i32
    %dma_start3A_49 = arith.constant 0 : i32
    %dma_start3A_50 = arith.constant 0 : i32
    %dma_start3A_51 = tpu.memref_slice %arg6[%dma_start3A_48, %dma_start3A_49, %dma_start3A_50] : memref<2x512x64xf32, #tpu.memory_space<vmem>> -> memref<1x512x64xf32, #tpu.memory_space<vmem>>
    %dma_start3A_52 = tpu.memref_squeeze %dma_start3A_51 : memref<1x512x64xf32, #tpu.memory_space<vmem>> -> memref<512x64xf32, #tpu.memory_space<vmem>>
    %dma_start3A_53 = arith.constant 384 : i32
    %dma_start3A_54 = arith.constant 0 : i32
    %dma_start3A_55 = tpu.memref_slice %dma_start3A_52[%dma_start3A_53, %dma_start3A_54] : memref<512x64xf32, #tpu.memory_space<vmem>> -> memref<128x64xf32, #tpu.memory_space<vmem>>
    %dma_start3A_56 = arith.constant 0 : i32
    %dma_start3A_57 = tpu.memref_slice %arg5[%dma_start3A_47, %dma_start3A_56] : memref<200x128xi32, #tpu.memory_space<vmem>> -> memref<1x128xi32, #tpu.memory_space<vmem>>
    %dma_start3A_58 = tpu.memref_squeeze %dma_start3A_57 : memref<1x128xi32, #tpu.memory_space<vmem>> -> memref<128xi32, #tpu.memory_space<vmem>>
    %dma_start3A_59 = arith.constant 0 : i32
    %dma_start3A_60 = arith.constant 0 : i32
    %dma_start3A_61 = tpu.memref_slice %arg3[%dma_start3A_59, %dma_start3A_60] : memref<1015808x64xf32, #tpu.memory_space<hbm>> -> memref<1015808x64xf32, #tpu.memory_space<hbm>>
    tpu.enqueue_indirect_dma source(%dma_start3A_61 : memref<1015808x64xf32, #tpu.memory_space<hbm>>) target(%dma_start3A_55 : memref<128x64xf32, #tpu.memory_space<vmem>>) offsets(%dma_start3A_58 : memref<128xi32, #tpu.memory_space<vmem>>) semaphore(%arg7 : memref<!tpu.dma_semaphore, #tpu.memory_space<semaphore_mem>>)
    %scan3A = arith.constant 0 : i32
    %scan3A_62 = arith.constant 0 : i32
    %scan3A_63 = arith.constant 50 : i32
    %scan3A_64 = arith.addi %scan3A_62, %scan3A_63 : i32
    %scan3A_65 = arith.constant 1 : i32
    scf.for %scan3A_92 = %scan3A_62 to %scan3A_64 step %scan3A_65  : i32 {
      %jit3A = arith.constant 2 : i32
      %eq3A = arith.constant 0 : i32
      %eq3A_93 = arith.cmpi eq, %jit3A, %eq3A : i32
      %jit3A_94 = arith.constant 1 : i32
      %select_n3A = arith.select %eq3A_93, %jit3A_94, %jit3A : i32
      %rem3A = arith.remsi %scan3A_92, %select_n3A : i32
      %ne3A = arith.constant 0 : i32
      %ne3A_95 = arith.cmpi ne, %rem3A, %ne3A : i32
      %lt3A = arith.constant 0 : i32
      %lt3A_96 = arith.cmpi slt, %rem3A, %lt3A : i32
      %lt3A_97 = arith.constant 0 : i32
      %lt3A_98 = arith.cmpi slt, %select_n3A, %lt3A_97 : i32
      %ne3A_99 = arith.xori %lt3A_96, %lt3A_98 : i1
      %and3A = arith.andi %ne3A_99, %ne3A_95 : i1
      %add3A_100 = arith.addi %rem3A, %select_n3A : i32
      %select_n3A_101 = arith.select %and3A, %add3A_100, %rem3A : i32
      %add3A_102 = arith.constant 1 : i32
      %add3A_103 = arith.addi %scan3A_92, %add3A_102 : i32
      %jit3A_104 = arith.constant 2 : i32
      %eq3A_105 = arith.constant 0 : i32
      %eq3A_106 = arith.cmpi eq, %jit3A_104, %eq3A_105 : i32
      %jit3A_107 = arith.constant 1 : i32
      %select_n3A_108 = arith.select %eq3A_106, %jit3A_107, %jit3A_104 : i32
      %rem3A_109 = arith.remsi %add3A_103, %select_n3A_108 : i32
      %ne3A_110 = arith.constant 0 : i32
      %ne3A_111 = arith.cmpi ne, %rem3A_109, %ne3A_110 : i32
      %lt3A_112 = arith.constant 0 : i32
      %lt3A_113 = arith.cmpi slt, %rem3A_109, %lt3A_112 : i32
      %lt3A_114 = arith.constant 0 : i32
      %lt3A_115 = arith.cmpi slt, %select_n3A_108, %lt3A_114 : i32
      %ne3A_116 = arith.xori %lt3A_113, %lt3A_115 : i1
      %and3A_117 = arith.andi %ne3A_116, %ne3A_111 : i1
      %add3A_118 = arith.addi %rem3A_109, %select_n3A_108 : i32
      %select_n3A_119 = arith.select %and3A_117, %add3A_118, %rem3A_109 : i32
      %add3A_120 = arith.constant 1 : i32
      %add3A_121 = arith.addi %scan3A_92, %add3A_120 : i32
      %lt3A_122 = arith.constant 50 : i32
      %lt3A_123 = arith.cmpi slt, %add3A_121, %lt3A_122 : i32
      %convert_element_type3A = arith.extui %lt3A_123 : i1 to i32
      %cond3A = arith.constant 0 : i32
      %cond3A_124 = arith.cmpi ne, %convert_element_type3A, %cond3A : i32
      scf.if %cond3A_124 {
        %ge3A = arith.constant 1 : i32
        %ge3A_152 = arith.cmpi sge, %scan3A_92, %ge3A : i32
        %convert_element_type3A_153 = arith.extui %ge3A_152 : i1 to i32
        %cond3A_154 = arith.constant 0 : i32
        %cond3A_155 = arith.cmpi ne, %convert_element_type3A_153, %cond3A_154 : i32
        scf.if %cond3A_155 {
          %dma_wait3A_226 = arith.constant 0 : i32
          %dma_wait3A_227 = arith.constant 0 : i32
          %dma_wait3A_228 = tpu.memref_slice %arg6[%select_n3A_119, %dma_wait3A_226, %dma_wait3A_227] : memref<2x512x64xf32, #tpu.memory_space<vmem>> -> memref<1x512x64xf32, #tpu.memory_space<vmem>>
          %dma_wait3A_229 = tpu.memref_squeeze %dma_wait3A_228 : memref<1x512x64xf32, #tpu.memory_space<vmem>> -> memref<512x64xf32, #tpu.memory_space<vmem>>
          %dma_wait3A_230 = arith.constant 0 : i32
          %dma_wait3A_231 = tpu.memref_slice %arg4[%mul3A_2, %dma_wait3A_230] : memref<819200x64xf32, #tpu.memory_space<hbm>> -> memref<512x64xf32, #tpu.memory_space<hbm>>
          %dma_wait3A_232 = arith.constant 0 : i32
          %dma_wait3A_233 = tpu.memref_slice %arg4[%mul3A_2, %dma_wait3A_232] : memref<819200x64xf32, #tpu.memory_space<hbm>> -> memref<512x64xf32, #tpu.memory_space<hbm>>
          %dma_wait3A_234 = arith.constant 0 : i32
          %dma_wait3A_235 = arith.constant 0 : i32
          %dma_wait3A_236 = tpu.memref_slice %arg6[%select_n3A_119, %dma_wait3A_234, %dma_wait3A_235] : memref<2x512x64xf32, #tpu.memory_space<vmem>> -> memref<1x512x64xf32, #tpu.memory_space<vmem>>
          %dma_wait3A_237 = tpu.memref_squeeze %dma_wait3A_236 : memref<1x512x64xf32, #tpu.memory_space<vmem>> -> memref<512x64xf32, #tpu.memory_space<vmem>>
          tpu.wait_dma2 semaphore(%arg8 : memref<!tpu.dma_semaphore, #tpu.memory_space<semaphore_mem>>) src(%dma_wait3A_237 : memref<512x64xf32, #tpu.memory_space<vmem>>) dst(%dma_wait3A_233 : memref<512x64xf32, #tpu.memory_space<hbm>>)
        } else {
        }
        %add3A_156 = arith.constant 1 : i32
        %add3A_157 = arith.addi %scan3A_92, %add3A_156 : i32
        %mul3A_158 = arith.constant 4 : i32
        %mul3A_159 = arith.muli %add3A_157, %mul3A_158 : i32
        %add3A_160 = arith.constant 0 : i32
        %add3A_161 = arith.addi %mul3A_159, %add3A_160 : i32
        %dma_start3A_162 = arith.constant 0 : i32
        %dma_start3A_163 = arith.constant 0 : i32
        %dma_start3A_164 = tpu.memref_slice %arg6[%select_n3A_119, %dma_start3A_162, %dma_start3A_163] : memref<2x512x64xf32, #tpu.memory_space<vmem>> -> memref<1x512x64xf32, #tpu.memory_space<vmem>>
        %dma_start3A_165 = tpu.memref_squeeze %dma_start3A_164 : memref<1x512x64xf32, #tpu.memory_space<vmem>> -> memref<512x64xf32, #tpu.memory_space<vmem>>
        %dma_start3A_166 = arith.constant 0 : i32
        %dma_start3A_167 = arith.constant 0 : i32
        %dma_start3A_168 = tpu.memref_slice %dma_start3A_165[%dma_start3A_166, %dma_start3A_167] : memref<512x64xf32, #tpu.memory_space<vmem>> -> memref<128x64xf32, #tpu.memory_space<vmem>>
        %dma_start3A_169 = arith.constant 0 : i32
        %dma_start3A_170 = tpu.memref_slice %arg5[%add3A_161, %dma_start3A_169] : memref<200x128xi32, #tpu.memory_space<vmem>> -> memref<1x128xi32, #tpu.memory_space<vmem>>
        %dma_start3A_171 = tpu.memref_squeeze %dma_start3A_170 : memref<1x128xi32, #tpu.memory_space<vmem>> -> memref<128xi32, #tpu.memory_space<vmem>>
        %dma_start3A_172 = arith.constant 0 : i32
        %dma_start3A_173 = arith.constant 0 : i32
        %dma_start3A_174 = tpu.memref_slice %arg3[%dma_start3A_172, %dma_start3A_173] : memref<1015808x64xf32, #tpu.memory_space<hbm>> -> memref<1015808x64xf32, #tpu.memory_space<hbm>>
        tpu.enqueue_indirect_dma source(%dma_start3A_174 : memref<1015808x64xf32, #tpu.memory_space<hbm>>) target(%dma_start3A_168 : memref<128x64xf32, #tpu.memory_space<vmem>>) offsets(%dma_start3A_171 : memref<128xi32, #tpu.memory_space<vmem>>) semaphore(%arg7 : memref<!tpu.dma_semaphore, #tpu.memory_space<semaphore_mem>>)
        %mul3A_175 = arith.constant 4 : i32
        %mul3A_176 = arith.muli %add3A_157, %mul3A_175 : i32
        %add3A_177 = arith.constant 1 : i32
        %add3A_178 = arith.addi %mul3A_176, %add3A_177 : i32
        %dma_start3A_179 = arith.constant 0 : i32
        %dma_start3A_180 = arith.constant 0 : i32
        %dma_start3A_181 = tpu.memref_slice %arg6[%select_n3A_119, %dma_start3A_179, %dma_start3A_180] : memref<2x512x64xf32, #tpu.memory_space<vmem>> -> memref<1x512x64xf32, #tpu.memory_space<vmem>>
        %dma_start3A_182 = tpu.memref_squeeze %dma_start3A_181 : memref<1x512x64xf32, #tpu.memory_space<vmem>> -> memref<512x64xf32, #tpu.memory_space<vmem>>
        %dma_start3A_183 = arith.constant 128 : i32
        %dma_start3A_184 = arith.constant 0 : i32
        %dma_start3A_185 = tpu.memref_slice %dma_start3A_182[%dma_start3A_183, %dma_start3A_184] : memref<512x64xf32, #tpu.memory_space<vmem>> -> memref<128x64xf32, #tpu.memory_space<vmem>>
        %dma_start3A_186 = arith.constant 0 : i32
        %dma_start3A_187 = tpu.memref_slice %arg5[%add3A_178, %dma_start3A_186] : memref<200x128xi32, #tpu.memory_space<vmem>> -> memref<1x128xi32, #tpu.memory_space<vmem>>
        %dma_start3A_188 = tpu.memref_squeeze %dma_start3A_187 : memref<1x128xi32, #tpu.memory_space<vmem>> -> memref<128xi32, #tpu.memory_space<vmem>>
        %dma_start3A_189 = arith.constant 0 : i32
        %dma_start3A_190 = arith.constant 0 : i32
        %dma_start3A_191 = tpu.memref_slice %arg3[%dma_start3A_189, %dma_start3A_190] : memref<1015808x64xf32, #tpu.memory_space<hbm>> -> memref<1015808x64xf32, #tpu.memory_space<hbm>>
        tpu.enqueue_indirect_dma source(%dma_start3A_191 : memref<1015808x64xf32, #tpu.memory_space<hbm>>) target(%dma_start3A_185 : memref<128x64xf32, #tpu.memory_space<vmem>>) offsets(%dma_start3A_188 : memref<128xi32, #tpu.memory_space<vmem>>) semaphore(%arg7 : memref<!tpu.dma_semaphore, #tpu.memory_space<semaphore_mem>>)
        %mul3A_192 = arith.constant 4 : i32
        %mul3A_193 = arith.muli %add3A_157, %mul3A_192 : i32
        %add3A_194 = arith.constant 2 : i32
        %add3A_195 = arith.addi %mul3A_193, %add3A_194 : i32
        %dma_start3A_196 = arith.constant 0 : i32
        %dma_start3A_197 = arith.constant 0 : i32
        %dma_start3A_198 = tpu.memref_slice %arg6[%select_n3A_119, %dma_start3A_196, %dma_start3A_197] : memref<2x512x64xf32, #tpu.memory_space<vmem>> -> memref<1x512x64xf32, #tpu.memory_space<vmem>>
        %dma_start3A_199 = tpu.memref_squeeze %dma_start3A_198 : memref<1x512x64xf32, #tpu.memory_space<vmem>> -> memref<512x64xf32, #tpu.memory_space<vmem>>
        %dma_start3A_200 = arith.constant 256 : i32
        %dma_start3A_201 = arith.constant 0 : i32
        %dma_start3A_202 = tpu.memref_slice %dma_start3A_199[%dma_start3A_200, %dma_start3A_201] : memref<512x64xf32, #tpu.memory_space<vmem>> -> memref<128x64xf32, #tpu.memory_space<vmem>>
        %dma_start3A_203 = arith.constant 0 : i32
        %dma_start3A_204 = tpu.memref_slice %arg5[%add3A_195, %dma_start3A_203] : memref<200x128xi32, #tpu.memory_space<vmem>> -> memref<1x128xi32, #tpu.memory_space<vmem>>
        %dma_start3A_205 = tpu.memref_squeeze %dma_start3A_204 : memref<1x128xi32, #tpu.memory_space<vmem>> -> memref<128xi32, #tpu.memory_space<vmem>>
        %dma_start3A_206 = arith.constant 0 : i32
        %dma_start3A_207 = arith.constant 0 : i32
        %dma_start3A_208 = tpu.memref_slice %arg3[%dma_start3A_206, %dma_start3A_207] : memref<1015808x64xf32, #tpu.memory_space<hbm>> -> memref<1015808x64xf32, #tpu.memory_space<hbm>>
        tpu.enqueue_indirect_dma source(%dma_start3A_208 : memref<1015808x64xf32, #tpu.memory_space<hbm>>) target(%dma_start3A_202 : memref<128x64xf32, #tpu.memory_space<vmem>>) offsets(%dma_start3A_205 : memref<128xi32, #tpu.memory_space<vmem>>) semaphore(%arg7 : memref<!tpu.dma_semaphore, #tpu.memory_space<semaphore_mem>>)
        %mul3A_209 = arith.constant 4 : i32
        %mul3A_210 = arith.muli %add3A_157, %mul3A_209 : i32
        %add3A_211 = arith.constant 3 : i32
        %add3A_212 = arith.addi %mul3A_210, %add3A_211 : i32
        %dma_start3A_213 = arith.constant 0 : i32
        %dma_start3A_214 = arith.constant 0 : i32
        %dma_start3A_215 = tpu.memref_slice %arg6[%select_n3A_119, %dma_start3A_213, %dma_start3A_214] : memref<2x512x64xf32, #tpu.memory_space<vmem>> -> memref<1x512x64xf32, #tpu.memory_space<vmem>>
        %dma_start3A_216 = tpu.memref_squeeze %dma_start3A_215 : memref<1x512x64xf32, #tpu.memory_space<vmem>> -> memref<512x64xf32, #tpu.memory_space<vmem>>
        %dma_start3A_217 = arith.constant 384 : i32
        %dma_start3A_218 = arith.constant 0 : i32
        %dma_start3A_219 = tpu.memref_slice %dma_start3A_216[%dma_start3A_217, %dma_start3A_218] : memref<512x64xf32, #tpu.memory_space<vmem>> -> memref<128x64xf32, #tpu.memory_space<vmem>>
        %dma_start3A_220 = arith.constant 0 : i32
        %dma_start3A_221 = tpu.memref_slice %arg5[%add3A_212, %dma_start3A_220] : memref<200x128xi32, #tpu.memory_space<vmem>> -> memref<1x128xi32, #tpu.memory_space<vmem>>
        %dma_start3A_222 = tpu.memref_squeeze %dma_start3A_221 : memref<1x128xi32, #tpu.memory_space<vmem>> -> memref<128xi32, #tpu.memory_space<vmem>>
        %dma_start3A_223 = arith.constant 0 : i32
        %dma_start3A_224 = arith.constant 0 : i32
        %dma_start3A_225 = tpu.memref_slice %arg3[%dma_start3A_223, %dma_start3A_224] : memref<1015808x64xf32, #tpu.memory_space<hbm>> -> memref<1015808x64xf32, #tpu.memory_space<hbm>>
        tpu.enqueue_indirect_dma source(%dma_start3A_225 : memref<1015808x64xf32, #tpu.memory_space<hbm>>) target(%dma_start3A_219 : memref<128x64xf32, #tpu.memory_space<vmem>>) offsets(%dma_start3A_222 : memref<128xi32, #tpu.memory_space<vmem>>) semaphore(%arg7 : memref<!tpu.dma_semaphore, #tpu.memory_space<semaphore_mem>>)
      } else {
      }
      %dma_wait3A_125 = arith.constant 0 : i32
      %dma_wait3A_126 = arith.constant 0 : i32
      %dma_wait3A_127 = tpu.memref_slice %arg6[%select_n3A_101, %dma_wait3A_125, %dma_wait3A_126] : memref<2x512x64xf32, #tpu.memory_space<vmem>> -> memref<1x512x64xf32, #tpu.memory_space<vmem>>
      %dma_wait3A_128 = tpu.memref_squeeze %dma_wait3A_127 : memref<1x512x64xf32, #tpu.memory_space<vmem>> -> memref<512x64xf32, #tpu.memory_space<vmem>>
      %dma_wait3A_129 = arith.constant 0 : i32
      %dma_wait3A_130 = tpu.memref_slice %arg4[%mul3A_2, %dma_wait3A_129] : memref<819200x64xf32, #tpu.memory_space<hbm>> -> memref<512x64xf32, #tpu.memory_space<hbm>>
      %dma_wait3A_131 = arith.constant 0 : i32
      %dma_wait3A_132 = arith.constant 0 : i32
      %dma_wait3A_133 = tpu.memref_slice %arg6[%select_n3A_101, %dma_wait3A_131, %dma_wait3A_132] : memref<2x512x64xf32, #tpu.memory_space<vmem>> -> memref<1x512x64xf32, #tpu.memory_space<vmem>>
      %dma_wait3A_134 = tpu.memref_squeeze %dma_wait3A_133 : memref<1x512x64xf32, #tpu.memory_space<vmem>> -> memref<512x64xf32, #tpu.memory_space<vmem>>
      %dma_wait3A_135 = arith.constant 0 : i32
      %dma_wait3A_136 = tpu.memref_slice %arg4[%mul3A_2, %dma_wait3A_135] : memref<819200x64xf32, #tpu.memory_space<hbm>> -> memref<512x64xf32, #tpu.memory_space<hbm>>
      tpu.wait_dma2 semaphore(%arg7 : memref<!tpu.dma_semaphore, #tpu.memory_space<semaphore_mem>>) src(%dma_wait3A_136 : memref<512x64xf32, #tpu.memory_space<hbm>>) dst(%dma_wait3A_134 : memref<512x64xf32, #tpu.memory_space<vmem>>)
      %mul3A_137 = arith.constant 512 : i32
      %mul3A_138 = arith.muli %scan3A_92, %mul3A_137 : i32
      %add3A_139 = arith.addi %mul3A_2, %mul3A_138 : i32
      %dma_start3A_140 = arith.constant 0 : i32
      %dma_start3A_141 = arith.constant 0 : i32
      %dma_start3A_142 = tpu.memref_slice %arg6[%select_n3A_101, %dma_start3A_140, %dma_start3A_141] : memref<2x512x64xf32, #tpu.memory_space<vmem>> -> memref<1x512x64xf32, #tpu.memory_space<vmem>>
      %dma_start3A_143 = tpu.memref_squeeze %dma_start3A_142 : memref<1x512x64xf32, #tpu.memory_space<vmem>> -> memref<512x64xf32, #tpu.memory_space<vmem>>
      %dma_start3A_144 = arith.constant 0 : i32
      %dma_start3A_145 = tpu.memref_slice %arg4[%add3A_139, %dma_start3A_144] : memref<819200x64xf32, #tpu.memory_space<hbm>> -> memref<512x64xf32, #tpu.memory_space<hbm>>
      %dma_start3A_146 = arith.constant 0 : i32
      %dma_start3A_147 = tpu.memref_slice %arg4[%add3A_139, %dma_start3A_146] : memref<819200x64xf32, #tpu.memory_space<hbm>> -> memref<512x64xf32, #tpu.memory_space<hbm>>
      %dma_start3A_148 = arith.constant 0 : i32
      %dma_start3A_149 = arith.constant 0 : i32
      %dma_start3A_150 = tpu.memref_slice %arg6[%select_n3A_101, %dma_start3A_148, %dma_start3A_149] : memref<2x512x64xf32, #tpu.memory_space<vmem>> -> memref<1x512x64xf32, #tpu.memory_space<vmem>>
      %dma_start3A_151 = tpu.memref_squeeze %dma_start3A_150 : memref<1x512x64xf32, #tpu.memory_space<vmem>> -> memref<512x64xf32, #tpu.memory_space<vmem>>
      tpu.enqueue_dma source(%dma_start3A_151 : memref<512x64xf32, #tpu.memory_space<vmem>>) target(%dma_start3A_147 : memref<512x64xf32, #tpu.memory_space<hbm>>) target_semaphore(%arg8 : memref<!tpu.dma_semaphore, #tpu.memory_space<semaphore_mem>>)
    }
    %scan3A_66 = arith.constant 50 : i32
    %dma_wait3A = arith.constant 0 : i32
    %dma_wait3A_67 = arith.constant 0 : i32
    %dma_wait3A_68 = arith.constant 0 : i32
    %dma_wait3A_69 = tpu.memref_slice %arg6[%dma_wait3A, %dma_wait3A_67, %dma_wait3A_68] : memref<2x512x64xf32, #tpu.memory_space<vmem>> -> memref<1x512x64xf32, #tpu.memory_space<vmem>>
    %dma_wait3A_70 = tpu.memref_squeeze %dma_wait3A_69 : memref<1x512x64xf32, #tpu.memory_space<vmem>> -> memref<512x64xf32, #tpu.memory_space<vmem>>
    %dma_wait3A_71 = arith.constant 0 : i32
    %dma_wait3A_72 = tpu.memref_slice %arg4[%mul3A_2, %dma_wait3A_71] : memref<819200x64xf32, #tpu.memory_space<hbm>> -> memref<512x64xf32, #tpu.memory_space<hbm>>
    %dma_wait3A_73 = arith.constant 0 : i32
    %dma_wait3A_74 = tpu.memref_slice %arg4[%mul3A_2, %dma_wait3A_73] : memref<819200x64xf32, #tpu.memory_space<hbm>> -> memref<512x64xf32, #tpu.memory_space<hbm>>
    %dma_wait3A_75 = arith.constant 0 : i32
    %dma_wait3A_76 = arith.constant 0 : i32
    %dma_wait3A_77 = tpu.memref_slice %arg6[%dma_wait3A, %dma_wait3A_75, %dma_wait3A_76] : memref<2x512x64xf32, #tpu.memory_space<vmem>> -> memref<1x512x64xf32, #tpu.memory_space<vmem>>
    %dma_wait3A_78 = tpu.memref_squeeze %dma_wait3A_77 : memref<1x512x64xf32, #tpu.memory_space<vmem>> -> memref<512x64xf32, #tpu.memory_space<vmem>>
    tpu.wait_dma2 semaphore(%arg8 : memref<!tpu.dma_semaphore, #tpu.memory_space<semaphore_mem>>) src(%dma_wait3A_78 : memref<512x64xf32, #tpu.memory_space<vmem>>) dst(%dma_wait3A_74 : memref<512x64xf32, #tpu.memory_space<hbm>>)
    %dma_wait3A_79 = arith.constant 1 : i32
    %dma_wait3A_80 = arith.constant 0 : i32
    %dma_wait3A_81 = arith.constant 0 : i32
    %dma_wait3A_82 = tpu.memref_slice %arg6[%dma_wait3A_79, %dma_wait3A_80, %dma_wait3A_81] : memref<2x512x64xf32, #tpu.memory_space<vmem>> -> memref<1x512x64xf32, #tpu.memory_space<vmem>>
    %dma_wait3A_83 = tpu.memref_squeeze %dma_wait3A_82 : memref<1x512x64xf32, #tpu.memory_space<vmem>> -> memref<512x64xf32, #tpu.memory_space<vmem>>
    %dma_wait3A_84 = arith.constant 0 : i32
    %dma_wait3A_85 = tpu.memref_slice %arg4[%mul3A_2, %dma_wait3A_84] : memref<819200x64xf32, #tpu.memory_space<hbm>> -> memref<512x64xf32, #tpu.memory_space<hbm>>
    %dma_wait3A_86 = arith.constant 0 : i32
    %dma_wait3A_87 = tpu.memref_slice %arg4[%mul3A_2, %dma_wait3A_86] : memref<819200x64xf32, #tpu.memory_space<hbm>> -> memref<512x64xf32, #tpu.memory_space<hbm>>
    %dma_wait3A_88 = arith.constant 0 : i32
    %dma_wait3A_89 = arith.constant 0 : i32
    %dma_wait3A_90 = tpu.memref_slice %arg6[%dma_wait3A_79, %dma_wait3A_88, %dma_wait3A_89] : memref<2x512x64xf32, #tpu.memory_space<vmem>> -> memref<1x512x64xf32, #tpu.memory_space<vmem>>
    %dma_wait3A_91 = tpu.memref_squeeze %dma_wait3A_90 : memref<1x512x64xf32, #tpu.memory_space<vmem>> -> memref<512x64xf32, #tpu.memory_space<vmem>>
    tpu.wait_dma2 semaphore(%arg8 : memref<!tpu.dma_semaphore, #tpu.memory_space<semaphore_mem>>) src(%dma_wait3A_91 : memref<512x64xf32, #tpu.memory_space<vmem>>) dst(%dma_wait3A_87 : memref<512x64xf32, #tpu.memory_space<hbm>>)
    return
  }
}

module attributes {stable_mosaic.version = 14 : i64} {
  func.func @_detile_body(%arg0: i32, %arg1: memref<64x8192xf32, #tpu.memory_space<vmem>>, %arg2: memref<64x8192xf32, #tpu.memory_space<vmem>>, %arg3: memref<64x64xf32, #tpu.memory_space<vmem>>, %arg4: memref<8192x128xf32, #tpu.memory_space<vmem>>) attributes {dimension_semantics = [#tpu.dimension_semantics<arbitrary>], iteration_bounds = array<i64: 62>, scalar_prefetch = 0 : i64, scratch_operands = 0 : i64, tpu.core_type = #tpu.core_type<tc>, window_params = [{transform_indices = @transform_0, window_bounds = array<i64: 64, 8192>}, {transform_indices = @transform_1, window_bounds = array<i64: 64, 8192>}, {pipeline_mode = #tpu.pipeline_mode<synchronous>, transform_indices = @transform_2, window_bounds = array<i64: 64, 64>}, {transform_indices = @transform_3, window_bounds = array<i64: 8192, 128>}]} {
    %get3A = arith.constant 0 : index
    %get3A_0 = arith.constant 0 : index
    %get3A_1 = vector.load %arg3[%get3A, %get3A_0] : memref<64x64xf32, #tpu.memory_space<vmem>>, vector<64x64xf32>
    %get3A_2 = arith.constant 0 : index
    %get3A_3 = arith.constant 0 : index
    %get3A_4 = vector.load %arg1[%get3A_2, %get3A_3] : memref<64x8192xf32, #tpu.memory_space<vmem>>, vector<64x8192xf32>
    %dot_general3A = arith.constant dense<0.000000e+00> : vector<8192x64xf32>
    %dot_general3A_5 = tpu.matmul %get3A_4, %get3A_1, %dot_general3A {dimension_numbers = #tpu.dot_dimension_numbers<[0], [0], [1], [1], [0, 1, 1, 1], [], []>, transpose_lhs_hint = false} : vector<64x8192xf32>, vector<64x64xf32>, vector<8192x64xf32> -> vector<8192x64xf32>
    %get3A_6 = arith.constant 0 : index
    %get3A_7 = arith.constant 0 : index
    %get3A_8 = vector.load %arg2[%get3A_6, %get3A_7] : memref<64x8192xf32, #tpu.memory_space<vmem>>, vector<64x8192xf32>
    %dot_general3A_9 = arith.constant dense<0.000000e+00> : vector<8192x64xf32>
    %dot_general3A_10 = tpu.matmul %get3A_8, %get3A_1, %dot_general3A_9 {dimension_numbers = #tpu.dot_dimension_numbers<[0], [0], [1], [1], [0, 1, 1, 1], [], []>, transpose_lhs_hint = false} : vector<64x8192xf32>, vector<64x64xf32>, vector<8192x64xf32> -> vector<8192x64xf32>
    %concatenate3A = tpu.concatenate %dot_general3A_5, %dot_general3A_10 in 1 : vector<8192x64xf32>, vector<8192x64xf32> -> vector<8192x128xf32>
    %swap3A = arith.constant 0 : index
    %swap3A_11 = arith.constant 0 : index
    %swap3A_12 = vector.load %arg4[%swap3A, %swap3A_11] : memref<8192x128xf32, #tpu.memory_space<vmem>>, vector<8192x128xf32>
    tpu.vector_store %arg4[%swap3A, %swap3A_11], %concatenate3A {strides = array<i32>} : memref<8192x128xf32, #tpu.memory_space<vmem>>, vector<8192x128xf32>,
    return
  }
  func.func @transform_0(%arg0: i32) -> (i32, i32) {
    %mul3A = arith.constant 2 : i32
    %mul3A_0 = arith.muli %mul3A, %arg0 : i32
    %min3A = arith.constant 121 : i32
    %min3A_1 = arith.minsi %mul3A_0, %min3A : i32
    %c0_i32 = arith.constant 0 : i32
    %c0_i32_2 = arith.constant 0 : i32
    return %c0_i32, %min3A_1 : i32, i32
  }
  func.func @transform_1(%arg0: i32) -> (i32, i32) {
    %mul3A = arith.constant 2 : i32
    %mul3A_0 = arith.muli %mul3A, %arg0 : i32
    %add3A = arith.constant 1 : i32
    %add3A_1 = arith.addi %mul3A_0, %add3A : i32
    %min3A = arith.constant 122 : i32
    %min3A_2 = arith.minsi %add3A_1, %min3A : i32
    %c0_i32 = arith.constant 0 : i32
    %c0_i32_3 = arith.constant 0 : i32
    return %c0_i32, %min3A_2 : i32, i32
  }
  func.func @transform_2(%arg0: i32) -> (i32, i32) {
    %c0_i32 = arith.constant 0 : i32
    %c0_i32_0 = arith.constant 0 : i32
    %c0_i32_1 = arith.constant 0 : i32
    return %c0_i32, %c0_i32_0 : i32, i32
  }
  func.func @transform_3(%arg0: i32) -> (i32, i32) {
    %c0_i32 = arith.constant 0 : i32
    %c0_i32_0 = arith.constant 0 : i32
    return %arg0, %c0_i32 : i32, i32
  }
}

module attributes {stable_mosaic.version = 14 : i64} {
  func.func @_retile_body(%arg0: i32, %arg1: memref<12800x128xf32, #tpu.memory_space<vmem>>, %arg2: memref<64x64xf32, #tpu.memory_space<vmem>>, %arg3: memref<50x64x512xf32, #tpu.memory_space<vmem>>) attributes {dimension_semantics = [#tpu.dimension_semantics<arbitrary>], iteration_bounds = array<i64: 32>, scalar_prefetch = 0 : i64, scratch_operands = 0 : i64, tpu.core_type = #tpu.core_type<tc>, window_params = [{transform_indices = @transform_0, window_bounds = array<i64: 12800, 128>}, {pipeline_mode = #tpu.pipeline_mode<synchronous>, transform_indices = @transform_1, window_bounds = array<i64: 64, 64>}, {transform_indices = @transform_2, window_bounds = array<i64: 50, 64, 512>}]} {
    %get3A = arith.constant 0 : index
    %get3A_0 = arith.constant 0 : index
    %get3A_1 = vector.load %arg2[%get3A, %get3A_0] : memref<64x64xf32, #tpu.memory_space<vmem>>, vector<64x64xf32>
    %get3A_2 = arith.constant 0 : index
    %get3A_3 = arith.constant 0 : index
    %get3A_4 = vector.load %arg1[%get3A_2, %get3A_3] : memref<12800x128xf32, #tpu.memory_space<vmem>>, vector<12800x64xf32>
    %reshape3A = vector.shape_cast %get3A_4 : vector<12800x64xf32> to vector<512x25x64xf32>
    %get3A_5 = arith.constant 0 : index
    %get3A_6 = arith.constant 64 : index
    %get3A_7 = vector.load %arg1[%get3A_5, %get3A_6] : memref<12800x128xf32, #tpu.memory_space<vmem>>, vector<12800x64xf32>
    %reshape3A_8 = vector.shape_cast %get3A_7 : vector<12800x64xf32> to vector<512x25x64xf32>
    %slice3A = vector.extract_strided_slice %reshape3A {offsets = [0, 0, 0], sizes = [512, 1, 64], strides = [1, 1, 1]} : vector<512x25x64xf32> to vector<512x1x64xf32>
    %squeeze3A = vector.shape_cast %slice3A : vector<512x1x64xf32> to vector<512x64xf32>
    %dot_general3A = arith.constant dense<0.000000e+00> : vector<64x512xf32>
    %dot_general3A_9 = tpu.matmul %get3A_1, %squeeze3A, %dot_general3A {dimension_numbers = #tpu.dot_dimension_numbers<[1], [1], [0], [0], [0, 0, 1, 0], [], []>, transpose_lhs_hint = false} : vector<64x64xf32>, vector<512x64xf32>, vector<64x512xf32> -> vector<64x512xf32>
    %swap3A = arith.constant 0 : index
    %swap3A_10 = arith.constant 0 : index
    %swap3A_11 = arith.constant 0 : index
    %swap3A_12 = vector.load %arg3[%swap3A, %swap3A_10, %swap3A_11] : memref<50x64x512xf32, #tpu.memory_space<vmem>>, vector<1x64x512xf32>
    %swap3A_13 = vector.shape_cast %swap3A_12 : vector<1x64x512xf32> to vector<64x512xf32>
    %swap3A_14 = vector.shape_cast %dot_general3A_9 : vector<64x512xf32> to vector<1x64x512xf32>
    tpu.vector_store %arg3[%swap3A, %swap3A_10, %swap3A_11], %swap3A_14 {strides = array<i32>} : memref<50x64x512xf32, #tpu.memory_space<vmem>>, vector<1x64x512xf32>,
    %slice3A_15 = vector.extract_strided_slice %reshape3A_8 {offsets = [0, 0, 0], sizes = [512, 1, 64], strides = [1, 1, 1]} : vector<512x25x64xf32> to vector<512x1x64xf32>
    %squeeze3A_16 = vector.shape_cast %slice3A_15 : vector<512x1x64xf32> to vector<512x64xf32>
    %dot_general3A_17 = arith.constant dense<0.000000e+00> : vector<64x512xf32>
    %dot_general3A_18 = tpu.matmul %get3A_1, %squeeze3A_16, %dot_general3A_17 {dimension_numbers = #tpu.dot_dimension_numbers<[1], [1], [0], [0], [0, 0, 1, 0], [], []>, transpose_lhs_hint = false} : vector<64x64xf32>, vector<512x64xf32>, vector<64x512xf32> -> vector<64x512xf32>
    %swap3A_19 = arith.constant 1 : index
    %swap3A_20 = arith.constant 0 : index
    %swap3A_21 = arith.constant 0 : index
    %swap3A_22 = vector.load %arg3[%swap3A_19, %swap3A_20, %swap3A_21] : memref<50x64x512xf32, #tpu.memory_space<vmem>>, vector<1x64x512xf32>
    %swap3A_23 = vector.shape_cast %swap3A_22 : vector<1x64x512xf32> to vector<64x512xf32>
    %swap3A_24 = vector.shape_cast %dot_general3A_18 : vector<64x512xf32> to vector<1x64x512xf32>
    tpu.vector_store %arg3[%swap3A_19, %swap3A_20, %swap3A_21], %swap3A_24 {strides = array<i32>} : memref<50x64x512xf32, #tpu.memory_space<vmem>>, vector<1x64x512xf32>,
    %slice3A_25 = vector.extract_strided_slice %reshape3A {offsets = [0, 1, 0], sizes = [512, 1, 64], strides = [1, 1, 1]} : vector<512x25x64xf32> to vector<512x1x64xf32>
    %squeeze3A_26 = vector.shape_cast %slice3A_25 : vector<512x1x64xf32> to vector<512x64xf32>
    %dot_general3A_27 = arith.constant dense<0.000000e+00> : vector<64x512xf32>
    %dot_general3A_28 = tpu.matmul %get3A_1, %squeeze3A_26, %dot_general3A_27 {dimension_numbers = #tpu.dot_dimension_numbers<[1], [1], [0], [0], [0, 0, 1, 0], [], []>, transpose_lhs_hint = false} : vector<64x64xf32>, vector<512x64xf32>, vector<64x512xf32> -> vector<64x512xf32>
    %swap3A_29 = arith.constant 2 : index
    %swap3A_30 = arith.constant 0 : index
    %swap3A_31 = arith.constant 0 : index
    %swap3A_32 = vector.load %arg3[%swap3A_29, %swap3A_30, %swap3A_31] : memref<50x64x512xf32, #tpu.memory_space<vmem>>, vector<1x64x512xf32>
    %swap3A_33 = vector.shape_cast %swap3A_32 : vector<1x64x512xf32> to vector<64x512xf32>
    %swap3A_34 = vector.shape_cast %dot_general3A_28 : vector<64x512xf32> to vector<1x64x512xf32>
    tpu.vector_store %arg3[%swap3A_29, %swap3A_30, %swap3A_31], %swap3A_34 {strides = array<i32>} : memref<50x64x512xf32, #tpu.memory_space<vmem>>, vector<1x64x512xf32>,
    %slice3A_35 = vector.extract_strided_slice %reshape3A_8 {offsets = [0, 1, 0], sizes = [512, 1, 64], strides = [1, 1, 1]} : vector<512x25x64xf32> to vector<512x1x64xf32>
    %squeeze3A_36 = vector.shape_cast %slice3A_35 : vector<512x1x64xf32> to vector<512x64xf32>
    %dot_general3A_37 = arith.constant dense<0.000000e+00> : vector<64x512xf32>
    %dot_general3A_38 = tpu.matmul %get3A_1, %squeeze3A_36, %dot_general3A_37 {dimension_numbers = #tpu.dot_dimension_numbers<[1], [1], [0], [0], [0, 0, 1, 0], [], []>, transpose_lhs_hint = false} : vector<64x64xf32>, vector<512x64xf32>, vector<64x512xf32> -> vector<64x512xf32>
    %swap3A_39 = arith.constant 3 : index
    %swap3A_40 = arith.constant 0 : index
    %swap3A_41 = arith.constant 0 : index
    %swap3A_42 = vector.load %arg3[%swap3A_39, %swap3A_40, %swap3A_41] : memref<50x64x512xf32, #tpu.memory_space<vmem>>, vector<1x64x512xf32>
    %swap3A_43 = vector.shape_cast %swap3A_42 : vector<1x64x512xf32> to vector<64x512xf32>
    %swap3A_44 = vector.shape_cast %dot_general3A_38 : vector<64x512xf32> to vector<1x64x512xf32>
    tpu.vector_store %arg3[%swap3A_39, %swap3A_40, %swap3A_41], %swap3A_44 {strides = array<i32>} : memref<50x64x512xf32, #tpu.memory_space<vmem>>, vector<1x64x512xf32>,
    %slice3A_45 = vector.extract_strided_slice %reshape3A {offsets = [0, 2, 0], sizes = [512, 1, 64], strides = [1, 1, 1]} : vector<512x25x64xf32> to vector<512x1x64xf32>
    %squeeze3A_46 = vector.shape_cast %slice3A_45 : vector<512x1x64xf32> to vector<512x64xf32>
    %dot_general3A_47 = arith.constant dense<0.000000e+00> : vector<64x512xf32>
    %dot_general3A_48 = tpu.matmul %get3A_1, %squeeze3A_46, %dot_general3A_47 {dimension_numbers = #tpu.dot_dimension_numbers<[1], [1], [0], [0], [0, 0, 1, 0], [], []>, transpose_lhs_hint = false} : vector<64x64xf32>, vector<512x64xf32>, vector<64x512xf32> -> vector<64x512xf32>
    %swap3A_49 = arith.constant 4 : index
    %swap3A_50 = arith.constant 0 : index
    %swap3A_51 = arith.constant 0 : index
    %swap3A_52 = vector.load %arg3[%swap3A_49, %swap3A_50, %swap3A_51] : memref<50x64x512xf32, #tpu.memory_space<vmem>>, vector<1x64x512xf32>
    %swap3A_53 = vector.shape_cast %swap3A_52 : vector<1x64x512xf32> to vector<64x512xf32>
    %swap3A_54 = vector.shape_cast %dot_general3A_48 : vector<64x512xf32> to vector<1x64x512xf32>
    tpu.vector_store %arg3[%swap3A_49, %swap3A_50, %swap3A_51], %swap3A_54 {strides = array<i32>} : memref<50x64x512xf32, #tpu.memory_space<vmem>>, vector<1x64x512xf32>,
    %slice3A_55 = vector.extract_strided_slice %reshape3A_8 {offsets = [0, 2, 0], sizes = [512, 1, 64], strides = [1, 1, 1]} : vector<512x25x64xf32> to vector<512x1x64xf32>
    %squeeze3A_56 = vector.shape_cast %slice3A_55 : vector<512x1x64xf32> to vector<512x64xf32>
    %dot_general3A_57 = arith.constant dense<0.000000e+00> : vector<64x512xf32>
    %dot_general3A_58 = tpu.matmul %get3A_1, %squeeze3A_56, %dot_general3A_57 {dimension_numbers = #tpu.dot_dimension_numbers<[1], [1], [0], [0], [0, 0, 1, 0], [], []>, transpose_lhs_hint = false} : vector<64x64xf32>, vector<512x64xf32>, vector<64x512xf32> -> vector<64x512xf32>
    %swap3A_59 = arith.constant 5 : index
    %swap3A_60 = arith.constant 0 : index
    %swap3A_61 = arith.constant 0 : index
    %swap3A_62 = vector.load %arg3[%swap3A_59, %swap3A_60, %swap3A_61] : memref<50x64x512xf32, #tpu.memory_space<vmem>>, vector<1x64x512xf32>
    %swap3A_63 = vector.shape_cast %swap3A_62 : vector<1x64x512xf32> to vector<64x512xf32>
    %swap3A_64 = vector.shape_cast %dot_general3A_58 : vector<64x512xf32> to vector<1x64x512xf32>
    tpu.vector_store %arg3[%swap3A_59, %swap3A_60, %swap3A_61], %swap3A_64 {strides = array<i32>} : memref<50x64x512xf32, #tpu.memory_space<vmem>>, vector<1x64x512xf32>,
    %slice3A_65 = vector.extract_strided_slice %reshape3A {offsets = [0, 3, 0], sizes = [512, 1, 64], strides = [1, 1, 1]} : vector<512x25x64xf32> to vector<512x1x64xf32>
    %squeeze3A_66 = vector.shape_cast %slice3A_65 : vector<512x1x64xf32> to vector<512x64xf32>
    %dot_general3A_67 = arith.constant dense<0.000000e+00> : vector<64x512xf32>
    %dot_general3A_68 = tpu.matmul %get3A_1, %squeeze3A_66, %dot_general3A_67 {dimension_numbers = #tpu.dot_dimension_numbers<[1], [1], [0], [0], [0, 0, 1, 0], [], []>, transpose_lhs_hint = false} : vector<64x64xf32>, vector<512x64xf32>, vector<64x512xf32> -> vector<64x512xf32>
    %swap3A_69 = arith.constant 6 : index
    %swap3A_70 = arith.constant 0 : index
    %swap3A_71 = arith.constant 0 : index
    %swap3A_72 = vector.load %arg3[%swap3A_69, %swap3A_70, %swap3A_71] : memref<50x64x512xf32, #tpu.memory_space<vmem>>, vector<1x64x512xf32>
    %swap3A_73 = vector.shape_cast %swap3A_72 : vector<1x64x512xf32> to vector<64x512xf32>
    %swap3A_74 = vector.shape_cast %dot_general3A_68 : vector<64x512xf32> to vector<1x64x512xf32>
    tpu.vector_store %arg3[%swap3A_69, %swap3A_70, %swap3A_71], %swap3A_74 {strides = array<i32>} : memref<50x64x512xf32, #tpu.memory_space<vmem>>, vector<1x64x512xf32>,
    %slice3A_75 = vector.extract_strided_slice %reshape3A_8 {offsets = [0, 3, 0], sizes = [512, 1, 64], strides = [1, 1, 1]} : vector<512x25x64xf32> to vector<512x1x64xf32>
    %squeeze3A_76 = vector.shape_cast %slice3A_75 : vector<512x1x64xf32> to vector<512x64xf32>
    %dot_general3A_77 = arith.constant dense<0.000000e+00> : vector<64x512xf32>
    %dot_general3A_78 = tpu.matmul %get3A_1, %squeeze3A_76, %dot_general3A_77 {dimension_numbers = #tpu.dot_dimension_numbers<[1], [1], [0], [0], [0, 0, 1, 0], [], []>, transpose_lhs_hint = false} : vector<64x64xf32>, vector<512x64xf32>, vector<64x512xf32> -> vector<64x512xf32>
    %swap3A_79 = arith.constant 7 : index
    %swap3A_80 = arith.constant 0 : index
    %swap3A_81 = arith.constant 0 : index
    %swap3A_82 = vector.load %arg3[%swap3A_79, %swap3A_80, %swap3A_81] : memref<50x64x512xf32, #tpu.memory_space<vmem>>, vector<1x64x512xf32>
    %swap3A_83 = vector.shape_cast %swap3A_82 : vector<1x64x512xf32> to vector<64x512xf32>
    %swap3A_84 = vector.shape_cast %dot_general3A_78 : vector<64x512xf32> to vector<1x64x512xf32>
    tpu.vector_store %arg3[%swap3A_79, %swap3A_80, %swap3A_81], %swap3A_84 {strides = array<i32>} : memref<50x64x512xf32, #tpu.memory_space<vmem>>, vector<1x64x512xf32>,
    %slice3A_85 = vector.extract_strided_slice %reshape3A {offsets = [0, 4, 0], sizes = [512, 1, 64], strides = [1, 1, 1]} : vector<512x25x64xf32> to vector<512x1x64xf32>
    %squeeze3A_86 = vector.shape_cast %slice3A_85 : vector<512x1x64xf32> to vector<512x64xf32>
    %dot_general3A_87 = arith.constant dense<0.000000e+00> : vector<64x512xf32>
    %dot_general3A_88 = tpu.matmul %get3A_1, %squeeze3A_86, %dot_general3A_87 {dimension_numbers = #tpu.dot_dimension_numbers<[1], [1], [0], [0], [0, 0, 1, 0], [], []>, transpose_lhs_hint = false} : vector<64x64xf32>, vector<512x64xf32>, vector<64x512xf32> -> vector<64x512xf32>
    %swap3A_89 = arith.constant 8 : index
    %swap3A_90 = arith.constant 0 : index
    %swap3A_91 = arith.constant 0 : index
    %swap3A_92 = vector.load %arg3[%swap3A_89, %swap3A_90, %swap3A_91] : memref<50x64x512xf32, #tpu.memory_space<vmem>>, vector<1x64x512xf32>
    %swap3A_93 = vector.shape_cast %swap3A_92 : vector<1x64x512xf32> to vector<64x512xf32>
    %swap3A_94 = vector.shape_cast %dot_general3A_88 : vector<64x512xf32> to vector<1x64x512xf32>
    tpu.vector_store %arg3[%swap3A_89, %swap3A_90, %swap3A_91], %swap3A_94 {strides = array<i32>} : memref<50x64x512xf32, #tpu.memory_space<vmem>>, vector<1x64x512xf32>,
    %slice3A_95 = vector.extract_strided_slice %reshape3A_8 {offsets = [0, 4, 0], sizes = [512, 1, 64], strides = [1, 1, 1]} : vector<512x25x64xf32> to vector<512x1x64xf32>
    %squeeze3A_96 = vector.shape_cast %slice3A_95 : vector<512x1x64xf32> to vector<512x64xf32>
    %dot_general3A_97 = arith.constant dense<0.000000e+00> : vector<64x512xf32>
    %dot_general3A_98 = tpu.matmul %get3A_1, %squeeze3A_96, %dot_general3A_97 {dimension_numbers = #tpu.dot_dimension_numbers<[1], [1], [0], [0], [0, 0, 1, 0], [], []>, transpose_lhs_hint = false} : vector<64x64xf32>, vector<512x64xf32>, vector<64x512xf32> -> vector<64x512xf32>
    %swap3A_99 = arith.constant 9 : index
    %swap3A_100 = arith.constant 0 : index
    %swap3A_101 = arith.constant 0 : index
    %swap3A_102 = vector.load %arg3[%swap3A_99, %swap3A_100, %swap3A_101] : memref<50x64x512xf32, #tpu.memory_space<vmem>>, vector<1x64x512xf32>
    %swap3A_103 = vector.shape_cast %swap3A_102 : vector<1x64x512xf32> to vector<64x512xf32>
    %swap3A_104 = vector.shape_cast %dot_general3A_98 : vector<64x512xf32> to vector<1x64x512xf32>
    tpu.vector_store %arg3[%swap3A_99, %swap3A_100, %swap3A_101], %swap3A_104 {strides = array<i32>} : memref<50x64x512xf32, #tpu.memory_space<vmem>>, vector<1x64x512xf32>,
    %slice3A_105 = vector.extract_strided_slice %reshape3A {offsets = [0, 5, 0], sizes = [512, 1, 64], strides = [1, 1, 1]} : vector<512x25x64xf32> to vector<512x1x64xf32>
    %squeeze3A_106 = vector.shape_cast %slice3A_105 : vector<512x1x64xf32> to vector<512x64xf32>
    %dot_general3A_107 = arith.constant dense<0.000000e+00> : vector<64x512xf32>
    %dot_general3A_108 = tpu.matmul %get3A_1, %squeeze3A_106, %dot_general3A_107 {dimension_numbers = #tpu.dot_dimension_numbers<[1], [1], [0], [0], [0, 0, 1, 0], [], []>, transpose_lhs_hint = false} : vector<64x64xf32>, vector<512x64xf32>, vector<64x512xf32> -> vector<64x512xf32>
    %swap3A_109 = arith.constant 10 : index
    %swap3A_110 = arith.constant 0 : index
    %swap3A_111 = arith.constant 0 : index
    %swap3A_112 = vector.load %arg3[%swap3A_109, %swap3A_110, %swap3A_111] : memref<50x64x512xf32, #tpu.memory_space<vmem>>, vector<1x64x512xf32>
    %swap3A_113 = vector.shape_cast %swap3A_112 : vector<1x64x512xf32> to vector<64x512xf32>
    %swap3A_114 = vector.shape_cast %dot_general3A_108 : vector<64x512xf32> to vector<1x64x512xf32>
    tpu.vector_store %arg3[%swap3A_109, %swap3A_110, %swap3A_111], %swap3A_114 {strides = array<i32>} : memref<50x64x512xf32, #tpu.memory_space<vmem>>, vector<1x64x512xf32>,
    %slice3A_115 = vector.extract_strided_slice %reshape3A_8 {offsets = [0, 5, 0], sizes = [512, 1, 64], strides = [1, 1, 1]} : vector<512x25x64xf32> to vector<512x1x64xf32>
    %squeeze3A_116 = vector.shape_cast %slice3A_115 : vector<512x1x64xf32> to vector<512x64xf32>
    %dot_general3A_117 = arith.constant dense<0.000000e+00> : vector<64x512xf32>
    %dot_general3A_118 = tpu.matmul %get3A_1, %squeeze3A_116, %dot_general3A_117 {dimension_numbers = #tpu.dot_dimension_numbers<[1], [1], [0], [0], [0, 0, 1, 0], [], []>, transpose_lhs_hint = false} : vector<64x64xf32>, vector<512x64xf32>, vector<64x512xf32> -> vector<64x512xf32>
    %swap3A_119 = arith.constant 11 : index
    %swap3A_120 = arith.constant 0 : index
    %swap3A_121 = arith.constant 0 : index
    %swap3A_122 = vector.load %arg3[%swap3A_119, %swap3A_120, %swap3A_121] : memref<50x64x512xf32, #tpu.memory_space<vmem>>, vector<1x64x512xf32>
    %swap3A_123 = vector.shape_cast %swap3A_122 : vector<1x64x512xf32> to vector<64x512xf32>
    %swap3A_124 = vector.shape_cast %dot_general3A_118 : vector<64x512xf32> to vector<1x64x512xf32>
    tpu.vector_store %arg3[%swap3A_119, %swap3A_120, %swap3A_121], %swap3A_124 {strides = array<i32>} : memref<50x64x512xf32, #tpu.memory_space<vmem>>, vector<1x64x512xf32>,
    %slice3A_125 = vector.extract_strided_slice %reshape3A {offsets = [0, 6, 0], sizes = [512, 1, 64], strides = [1, 1, 1]} : vector<512x25x64xf32> to vector<512x1x64xf32>
    %squeeze3A_126 = vector.shape_cast %slice3A_125 : vector<512x1x64xf32> to vector<512x64xf32>
    %dot_general3A_127 = arith.constant dense<0.000000e+00> : vector<64x512xf32>
    %dot_general3A_128 = tpu.matmul %get3A_1, %squeeze3A_126, %dot_general3A_127 {dimension_numbers = #tpu.dot_dimension_numbers<[1], [1], [0], [0], [0, 0, 1, 0], [], []>, transpose_lhs_hint = false} : vector<64x64xf32>, vector<512x64xf32>, vector<64x512xf32> -> vector<64x512xf32>
    %swap3A_129 = arith.constant 12 : index
    %swap3A_130 = arith.constant 0 : index
    %swap3A_131 = arith.constant 0 : index
    %swap3A_132 = vector.load %arg3[%swap3A_129, %swap3A_130, %swap3A_131] : memref<50x64x512xf32, #tpu.memory_space<vmem>>, vector<1x64x512xf32>
    %swap3A_133 = vector.shape_cast %swap3A_132 : vector<1x64x512xf32> to vector<64x512xf32>
    %swap3A_134 = vector.shape_cast %dot_general3A_128 : vector<64x512xf32> to vector<1x64x512xf32>
    tpu.vector_store %arg3[%swap3A_129, %swap3A_130, %swap3A_131], %swap3A_134 {strides = array<i32>} : memref<50x64x512xf32, #tpu.memory_space<vmem>>, vector<1x64x512xf32>,
    %slice3A_135 = vector.extract_strided_slice %reshape3A_8 {offsets = [0, 6, 0], sizes = [512, 1, 64], strides = [1, 1, 1]} : vector<512x25x64xf32> to vector<512x1x64xf32>
    %squeeze3A_136 = vector.shape_cast %slice3A_135 : vector<512x1x64xf32> to vector<512x64xf32>
    %dot_general3A_137 = arith.constant dense<0.000000e+00> : vector<64x512xf32>
    %dot_general3A_138 = tpu.matmul %get3A_1, %squeeze3A_136, %dot_general3A_137 {dimension_numbers = #tpu.dot_dimension_numbers<[1], [1], [0], [0], [0, 0, 1, 0], [], []>, transpose_lhs_hint = false} : vector<64x64xf32>, vector<512x64xf32>, vector<64x512xf32> -> vector<64x512xf32>
    %swap3A_139 = arith.constant 13 : index
    %swap3A_140 = arith.constant 0 : index
    %swap3A_141 = arith.constant 0 : index
    %swap3A_142 = vector.load %arg3[%swap3A_139, %swap3A_140, %swap3A_141] : memref<50x64x512xf32, #tpu.memory_space<vmem>>, vector<1x64x512xf32>
    %swap3A_143 = vector.shape_cast %swap3A_142 : vector<1x64x512xf32> to vector<64x512xf32>
    %swap3A_144 = vector.shape_cast %dot_general3A_138 : vector<64x512xf32> to vector<1x64x512xf32>
    tpu.vector_store %arg3[%swap3A_139, %swap3A_140, %swap3A_141], %swap3A_144 {strides = array<i32>} : memref<50x64x512xf32, #tpu.memory_space<vmem>>, vector<1x64x512xf32>,
    %slice3A_145 = vector.extract_strided_slice %reshape3A {offsets = [0, 7, 0], sizes = [512, 1, 64], strides = [1, 1, 1]} : vector<512x25x64xf32> to vector<512x1x64xf32>
    %squeeze3A_146 = vector.shape_cast %slice3A_145 : vector<512x1x64xf32> to vector<512x64xf32>
    %dot_general3A_147 = arith.constant dense<0.000000e+00> : vector<64x512xf32>
    %dot_general3A_148 = tpu.matmul %get3A_1, %squeeze3A_146, %dot_general3A_147 {dimension_numbers = #tpu.dot_dimension_numbers<[1], [1], [0], [0], [0, 0, 1, 0], [], []>, transpose_lhs_hint = false} : vector<64x64xf32>, vector<512x64xf32>, vector<64x512xf32> -> vector<64x512xf32>
    %swap3A_149 = arith.constant 14 : index
    %swap3A_150 = arith.constant 0 : index
    %swap3A_151 = arith.constant 0 : index
    %swap3A_152 = vector.load %arg3[%swap3A_149, %swap3A_150, %swap3A_151] : memref<50x64x512xf32, #tpu.memory_space<vmem>>, vector<1x64x512xf32>
    %swap3A_153 = vector.shape_cast %swap3A_152 : vector<1x64x512xf32> to vector<64x512xf32>
    %swap3A_154 = vector.shape_cast %dot_general3A_148 : vector<64x512xf32> to vector<1x64x512xf32>
    tpu.vector_store %arg3[%swap3A_149, %swap3A_150, %swap3A_151], %swap3A_154 {strides = array<i32>} : memref<50x64x512xf32, #tpu.memory_space<vmem>>, vector<1x64x512xf32>,
    %slice3A_155 = vector.extract_strided_slice %reshape3A_8 {offsets = [0, 7, 0], sizes = [512, 1, 64], strides = [1, 1, 1]} : vector<512x25x64xf32> to vector<512x1x64xf32>
    %squeeze3A_156 = vector.shape_cast %slice3A_155 : vector<512x1x64xf32> to vector<512x64xf32>
    %dot_general3A_157 = arith.constant dense<0.000000e+00> : vector<64x512xf32>
    %dot_general3A_158 = tpu.matmul %get3A_1, %squeeze3A_156, %dot_general3A_157 {dimension_numbers = #tpu.dot_dimension_numbers<[1], [1], [0], [0], [0, 0, 1, 0], [], []>, transpose_lhs_hint = false} : vector<64x64xf32>, vector<512x64xf32>, vector<64x512xf32> -> vector<64x512xf32>
    %swap3A_159 = arith.constant 15 : index
    %swap3A_160 = arith.constant 0 : index
    %swap3A_161 = arith.constant 0 : index
    %swap3A_162 = vector.load %arg3[%swap3A_159, %swap3A_160, %swap3A_161] : memref<50x64x512xf32, #tpu.memory_space<vmem>>, vector<1x64x512xf32>
    %swap3A_163 = vector.shape_cast %swap3A_162 : vector<1x64x512xf32> to vector<64x512xf32>
    %swap3A_164 = vector.shape_cast %dot_general3A_158 : vector<64x512xf32> to vector<1x64x512xf32>
    tpu.vector_store %arg3[%swap3A_159, %swap3A_160, %swap3A_161], %swap3A_164 {strides = array<i32>} : memref<50x64x512xf32, #tpu.memory_space<vmem>>, vector<1x64x512xf32>,
    %slice3A_165 = vector.extract_strided_slice %reshape3A {offsets = [0, 8, 0], sizes = [512, 1, 64], strides = [1, 1, 1]} : vector<512x25x64xf32> to vector<512x1x64xf32>
    %squeeze3A_166 = vector.shape_cast %slice3A_165 : vector<512x1x64xf32> to vector<512x64xf32>
    %dot_general3A_167 = arith.constant dense<0.000000e+00> : vector<64x512xf32>
    %dot_general3A_168 = tpu.matmul %get3A_1, %squeeze3A_166, %dot_general3A_167 {dimension_numbers = #tpu.dot_dimension_numbers<[1], [1], [0], [0], [0, 0, 1, 0], [], []>, transpose_lhs_hint = false} : vector<64x64xf32>, vector<512x64xf32>, vector<64x512xf32> -> vector<64x512xf32>
    %swap3A_169 = arith.constant 16 : index
    %swap3A_170 = arith.constant 0 : index
    %swap3A_171 = arith.constant 0 : index
    %swap3A_172 = vector.load %arg3[%swap3A_169, %swap3A_170, %swap3A_171] : memref<50x64x512xf32, #tpu.memory_space<vmem>>, vector<1x64x512xf32>
    %swap3A_173 = vector.shape_cast %swap3A_172 : vector<1x64x512xf32> to vector<64x512xf32>
    %swap3A_174 = vector.shape_cast %dot_general3A_168 : vector<64x512xf32> to vector<1x64x512xf32>
    tpu.vector_store %arg3[%swap3A_169, %swap3A_170, %swap3A_171], %swap3A_174 {strides = array<i32>} : memref<50x64x512xf32, #tpu.memory_space<vmem>>, vector<1x64x512xf32>,
    %slice3A_175 = vector.extract_strided_slice %reshape3A_8 {offsets = [0, 8, 0], sizes = [512, 1, 64], strides = [1, 1, 1]} : vector<512x25x64xf32> to vector<512x1x64xf32>
    %squeeze3A_176 = vector.shape_cast %slice3A_175 : vector<512x1x64xf32> to vector<512x64xf32>
    %dot_general3A_177 = arith.constant dense<0.000000e+00> : vector<64x512xf32>
    %dot_general3A_178 = tpu.matmul %get3A_1, %squeeze3A_176, %dot_general3A_177 {dimension_numbers = #tpu.dot_dimension_numbers<[1], [1], [0], [0], [0, 0, 1, 0], [], []>, transpose_lhs_hint = false} : vector<64x64xf32>, vector<512x64xf32>, vector<64x512xf32> -> vector<64x512xf32>
    %swap3A_179 = arith.constant 17 : index
    %swap3A_180 = arith.constant 0 : index
    %swap3A_181 = arith.constant 0 : index
    %swap3A_182 = vector.load %arg3[%swap3A_179, %swap3A_180, %swap3A_181] : memref<50x64x512xf32, #tpu.memory_space<vmem>>, vector<1x64x512xf32>
    %swap3A_183 = vector.shape_cast %swap3A_182 : vector<1x64x512xf32> to vector<64x512xf32>
    %swap3A_184 = vector.shape_cast %dot_general3A_178 : vector<64x512xf32> to vector<1x64x512xf32>
    tpu.vector_store %arg3[%swap3A_179, %swap3A_180, %swap3A_181], %swap3A_184 {strides = array<i32>} : memref<50x64x512xf32, #tpu.memory_space<vmem>>, vector<1x64x512xf32>,
    %slice3A_185 = vector.extract_strided_slice %reshape3A {offsets = [0, 9, 0], sizes = [512, 1, 64], strides = [1, 1, 1]} : vector<512x25x64xf32> to vector<512x1x64xf32>
    %squeeze3A_186 = vector.shape_cast %slice3A_185 : vector<512x1x64xf32> to vector<512x64xf32>
    %dot_general3A_187 = arith.constant dense<0.000000e+00> : vector<64x512xf32>
    %dot_general3A_188 = tpu.matmul %get3A_1, %squeeze3A_186, %dot_general3A_187 {dimension_numbers = #tpu.dot_dimension_numbers<[1], [1], [0], [0], [0, 0, 1, 0], [], []>, transpose_lhs_hint = false} : vector<64x64xf32>, vector<512x64xf32>, vector<64x512xf32> -> vector<64x512xf32>
    %swap3A_189 = arith.constant 18 : index
    %swap3A_190 = arith.constant 0 : index
    %swap3A_191 = arith.constant 0 : index
    %swap3A_192 = vector.load %arg3[%swap3A_189, %swap3A_190, %swap3A_191] : memref<50x64x512xf32, #tpu.memory_space<vmem>>, vector<1x64x512xf32>
    %swap3A_193 = vector.shape_cast %swap3A_192 : vector<1x64x512xf32> to vector<64x512xf32>
    %swap3A_194 = vector.shape_cast %dot_general3A_188 : vector<64x512xf32> to vector<1x64x512xf32>
    tpu.vector_store %arg3[%swap3A_189, %swap3A_190, %swap3A_191], %swap3A_194 {strides = array<i32>} : memref<50x64x512xf32, #tpu.memory_space<vmem>>, vector<1x64x512xf32>,
    %slice3A_195 = vector.extract_strided_slice %reshape3A_8 {offsets = [0, 9, 0], sizes = [512, 1, 64], strides = [1, 1, 1]} : vector<512x25x64xf32> to vector<512x1x64xf32>
    %squeeze3A_196 = vector.shape_cast %slice3A_195 : vector<512x1x64xf32> to vector<512x64xf32>
    %dot_general3A_197 = arith.constant dense<0.000000e+00> : vector<64x512xf32>
    %dot_general3A_198 = tpu.matmul %get3A_1, %squeeze3A_196, %dot_general3A_197 {dimension_numbers = #tpu.dot_dimension_numbers<[1], [1], [0], [0], [0, 0, 1, 0], [], []>, transpose_lhs_hint = false} : vector<64x64xf32>, vector<512x64xf32>, vector<64x512xf32> -> vector<64x512xf32>
    %swap3A_199 = arith.constant 19 : index
    %swap3A_200 = arith.constant 0 : index
    %swap3A_201 = arith.constant 0 : index
    %swap3A_202 = vector.load %arg3[%swap3A_199, %swap3A_200, %swap3A_201] : memref<50x64x512xf32, #tpu.memory_space<vmem>>, vector<1x64x512xf32>
    %swap3A_203 = vector.shape_cast %swap3A_202 : vector<1x64x512xf32> to vector<64x512xf32>
    %swap3A_204 = vector.shape_cast %dot_general3A_198 : vector<64x512xf32> to vector<1x64x512xf32>
    tpu.vector_store %arg3[%swap3A_199, %swap3A_200, %swap3A_201], %swap3A_204 {strides = array<i32>} : memref<50x64x512xf32, #tpu.memory_space<vmem>>, vector<1x64x512xf32>,
    %slice3A_205 = vector.extract_strided_slice %reshape3A {offsets = [0, 10, 0], sizes = [512, 1, 64], strides = [1, 1, 1]} : vector<512x25x64xf32> to vector<512x1x64xf32>
    %squeeze3A_206 = vector.shape_cast %slice3A_205 : vector<512x1x64xf32> to vector<512x64xf32>
    %dot_general3A_207 = arith.constant dense<0.000000e+00> : vector<64x512xf32>
    %dot_general3A_208 = tpu.matmul %get3A_1, %squeeze3A_206, %dot_general3A_207 {dimension_numbers = #tpu.dot_dimension_numbers<[1], [1], [0], [0], [0, 0, 1, 0], [], []>, transpose_lhs_hint = false} : vector<64x64xf32>, vector<512x64xf32>, vector<64x512xf32> -> vector<64x512xf32>
    %swap3A_209 = arith.constant 20 : index
    %swap3A_210 = arith.constant 0 : index
    %swap3A_211 = arith.constant 0 : index
    %swap3A_212 = vector.load %arg3[%swap3A_209, %swap3A_210, %swap3A_211] : memref<50x64x512xf32, #tpu.memory_space<vmem>>, vector<1x64x512xf32>
    %swap3A_213 = vector.shape_cast %swap3A_212 : vector<1x64x512xf32> to vector<64x512xf32>
    %swap3A_214 = vector.shape_cast %dot_general3A_208 : vector<64x512xf32> to vector<1x64x512xf32>
    tpu.vector_store %arg3[%swap3A_209, %swap3A_210, %swap3A_211], %swap3A_214 {strides = array<i32>} : memref<50x64x512xf32, #tpu.memory_space<vmem>>, vector<1x64x512xf32>,
    %slice3A_215 = vector.extract_strided_slice %reshape3A_8 {offsets = [0, 10, 0], sizes = [512, 1, 64], strides = [1, 1, 1]} : vector<512x25x64xf32> to vector<512x1x64xf32>
    %squeeze3A_216 = vector.shape_cast %slice3A_215 : vector<512x1x64xf32> to vector<512x64xf32>
    %dot_general3A_217 = arith.constant dense<0.000000e+00> : vector<64x512xf32>
    %dot_general3A_218 = tpu.matmul %get3A_1, %squeeze3A_216, %dot_general3A_217 {dimension_numbers = #tpu.dot_dimension_numbers<[1], [1], [0], [0], [0, 0, 1, 0], [], []>, transpose_lhs_hint = false} : vector<64x64xf32>, vector<512x64xf32>, vector<64x512xf32> -> vector<64x512xf32>
    %swap3A_219 = arith.constant 21 : index
    %swap3A_220 = arith.constant 0 : index
    %swap3A_221 = arith.constant 0 : index
    %swap3A_222 = vector.load %arg3[%swap3A_219, %swap3A_220, %swap3A_221] : memref<50x64x512xf32, #tpu.memory_space<vmem>>, vector<1x64x512xf32>
    %swap3A_223 = vector.shape_cast %swap3A_222 : vector<1x64x512xf32> to vector<64x512xf32>
    %swap3A_224 = vector.shape_cast %dot_general3A_218 : vector<64x512xf32> to vector<1x64x512xf32>
    tpu.vector_store %arg3[%swap3A_219, %swap3A_220, %swap3A_221], %swap3A_224 {strides = array<i32>} : memref<50x64x512xf32, #tpu.memory_space<vmem>>, vector<1x64x512xf32>,
    %slice3A_225 = vector.extract_strided_slice %reshape3A {offsets = [0, 11, 0], sizes = [512, 1, 64], strides = [1, 1, 1]} : vector<512x25x64xf32> to vector<512x1x64xf32>
    %squeeze3A_226 = vector.shape_cast %slice3A_225 : vector<512x1x64xf32> to vector<512x64xf32>
    %dot_general3A_227 = arith.constant dense<0.000000e+00> : vector<64x512xf32>
    %dot_general3A_228 = tpu.matmul %get3A_1, %squeeze3A_226, %dot_general3A_227 {dimension_numbers = #tpu.dot_dimension_numbers<[1], [1], [0], [0], [0, 0, 1, 0], [], []>, transpose_lhs_hint = false} : vector<64x64xf32>, vector<512x64xf32>, vector<64x512xf32> -> vector<64x512xf32>
    %swap3A_229 = arith.constant 22 : index
    %swap3A_230 = arith.constant 0 : index
    %swap3A_231 = arith.constant 0 : index
    %swap3A_232 = vector.load %arg3[%swap3A_229, %swap3A_230, %swap3A_231] : memref<50x64x512xf32, #tpu.memory_space<vmem>>, vector<1x64x512xf32>
    %swap3A_233 = vector.shape_cast %swap3A_232 : vector<1x64x512xf32> to vector<64x512xf32>
    %swap3A_234 = vector.shape_cast %dot_general3A_228 : vector<64x512xf32> to vector<1x64x512xf32>
    tpu.vector_store %arg3[%swap3A_229, %swap3A_230, %swap3A_231], %swap3A_234 {strides = array<i32>} : memref<50x64x512xf32, #tpu.memory_space<vmem>>, vector<1x64x512xf32>,
    %slice3A_235 = vector.extract_strided_slice %reshape3A_8 {offsets = [0, 11, 0], sizes = [512, 1, 64], strides = [1, 1, 1]} : vector<512x25x64xf32> to vector<512x1x64xf32>
    %squeeze3A_236 = vector.shape_cast %slice3A_235 : vector<512x1x64xf32> to vector<512x64xf32>
    %dot_general3A_237 = arith.constant dense<0.000000e+00> : vector<64x512xf32>
    %dot_general3A_238 = tpu.matmul %get3A_1, %squeeze3A_236, %dot_general3A_237 {dimension_numbers = #tpu.dot_dimension_numbers<[1], [1], [0], [0], [0, 0, 1, 0], [], []>, transpose_lhs_hint = false} : vector<64x64xf32>, vector<512x64xf32>, vector<64x512xf32> -> vector<64x512xf32>
    %swap3A_239 = arith.constant 23 : index
    %swap3A_240 = arith.constant 0 : index
    %swap3A_241 = arith.constant 0 : index
    %swap3A_242 = vector.load %arg3[%swap3A_239, %swap3A_240, %swap3A_241] : memref<50x64x512xf32, #tpu.memory_space<vmem>>, vector<1x64x512xf32>
    %swap3A_243 = vector.shape_cast %swap3A_242 : vector<1x64x512xf32> to vector<64x512xf32>
    %swap3A_244 = vector.shape_cast %dot_general3A_238 : vector<64x512xf32> to vector<1x64x512xf32>
    tpu.vector_store %arg3[%swap3A_239, %swap3A_240, %swap3A_241], %swap3A_244 {strides = array<i32>} : memref<50x64x512xf32, #tpu.memory_space<vmem>>, vector<1x64x512xf32>,
    %slice3A_245 = vector.extract_strided_slice %reshape3A {offsets = [0, 12, 0], sizes = [512, 1, 64], strides = [1, 1, 1]} : vector<512x25x64xf32> to vector<512x1x64xf32>
    %squeeze3A_246 = vector.shape_cast %slice3A_245 : vector<512x1x64xf32> to vector<512x64xf32>
    %dot_general3A_247 = arith.constant dense<0.000000e+00> : vector<64x512xf32>
    %dot_general3A_248 = tpu.matmul %get3A_1, %squeeze3A_246, %dot_general3A_247 {dimension_numbers = #tpu.dot_dimension_numbers<[1], [1], [0], [0], [0, 0, 1, 0], [], []>, transpose_lhs_hint = false} : vector<64x64xf32>, vector<512x64xf32>, vector<64x512xf32> -> vector<64x512xf32>
    %swap3A_249 = arith.constant 24 : index
    %swap3A_250 = arith.constant 0 : index
    %swap3A_251 = arith.constant 0 : index
    %swap3A_252 = vector.load %arg3[%swap3A_249, %swap3A_250, %swap3A_251] : memref<50x64x512xf32, #tpu.memory_space<vmem>>, vector<1x64x512xf32>
    %swap3A_253 = vector.shape_cast %swap3A_252 : vector<1x64x512xf32> to vector<64x512xf32>
    %swap3A_254 = vector.shape_cast %dot_general3A_248 : vector<64x512xf32> to vector<1x64x512xf32>
    tpu.vector_store %arg3[%swap3A_249, %swap3A_250, %swap3A_251], %swap3A_254 {strides = array<i32>} : memref<50x64x512xf32, #tpu.memory_space<vmem>>, vector<1x64x512xf32>,
    %slice3A_255 = vector.extract_strided_slice %reshape3A_8 {offsets = [0, 12, 0], sizes = [512, 1, 64], strides = [1, 1, 1]} : vector<512x25x64xf32> to vector<512x1x64xf32>
    %squeeze3A_256 = vector.shape_cast %slice3A_255 : vector<512x1x64xf32> to vector<512x64xf32>
    %dot_general3A_257 = arith.constant dense<0.000000e+00> : vector<64x512xf32>
    %dot_general3A_258 = tpu.matmul %get3A_1, %squeeze3A_256, %dot_general3A_257 {dimension_numbers = #tpu.dot_dimension_numbers<[1], [1], [0], [0], [0, 0, 1, 0], [], []>, transpose_lhs_hint = false} : vector<64x64xf32>, vector<512x64xf32>, vector<64x512xf32> -> vector<64x512xf32>
    %swap3A_259 = arith.constant 25 : index
    %swap3A_260 = arith.constant 0 : index
    %swap3A_261 = arith.constant 0 : index
    %swap3A_262 = vector.load %arg3[%swap3A_259, %swap3A_260, %swap3A_261] : memref<50x64x512xf32, #tpu.memory_space<vmem>>, vector<1x64x512xf32>
    %swap3A_263 = vector.shape_cast %swap3A_262 : vector<1x64x512xf32> to vector<64x512xf32>
    %swap3A_264 = vector.shape_cast %dot_general3A_258 : vector<64x512xf32> to vector<1x64x512xf32>
    tpu.vector_store %arg3[%swap3A_259, %swap3A_260, %swap3A_261], %swap3A_264 {strides = array<i32>} : memref<50x64x512xf32, #tpu.memory_space<vmem>>, vector<1x64x512xf32>,
    %slice3A_265 = vector.extract_strided_slice %reshape3A {offsets = [0, 13, 0], sizes = [512, 1, 64], strides = [1, 1, 1]} : vector<512x25x64xf32> to vector<512x1x64xf32>
    %squeeze3A_266 = vector.shape_cast %slice3A_265 : vector<512x1x64xf32> to vector<512x64xf32>
    %dot_general3A_267 = arith.constant dense<0.000000e+00> : vector<64x512xf32>
    %dot_general3A_268 = tpu.matmul %get3A_1, %squeeze3A_266, %dot_general3A_267 {dimension_numbers = #tpu.dot_dimension_numbers<[1], [1], [0], [0], [0, 0, 1, 0], [], []>, transpose_lhs_hint = false} : vector<64x64xf32>, vector<512x64xf32>, vector<64x512xf32> -> vector<64x512xf32>
    %swap3A_269 = arith.constant 26 : index
    %swap3A_270 = arith.constant 0 : index
    %swap3A_271 = arith.constant 0 : index
    %swap3A_272 = vector.load %arg3[%swap3A_269, %swap3A_270, %swap3A_271] : memref<50x64x512xf32, #tpu.memory_space<vmem>>, vector<1x64x512xf32>
    %swap3A_273 = vector.shape_cast %swap3A_272 : vector<1x64x512xf32> to vector<64x512xf32>
    %swap3A_274 = vector.shape_cast %dot_general3A_268 : vector<64x512xf32> to vector<1x64x512xf32>
    tpu.vector_store %arg3[%swap3A_269, %swap3A_270, %swap3A_271], %swap3A_274 {strides = array<i32>} : memref<50x64x512xf32, #tpu.memory_space<vmem>>, vector<1x64x512xf32>,
    %slice3A_275 = vector.extract_strided_slice %reshape3A_8 {offsets = [0, 13, 0], sizes = [512, 1, 64], strides = [1, 1, 1]} : vector<512x25x64xf32> to vector<512x1x64xf32>
    %squeeze3A_276 = vector.shape_cast %slice3A_275 : vector<512x1x64xf32> to vector<512x64xf32>
    %dot_general3A_277 = arith.constant dense<0.000000e+00> : vector<64x512xf32>
    %dot_general3A_278 = tpu.matmul %get3A_1, %squeeze3A_276, %dot_general3A_277 {dimension_numbers = #tpu.dot_dimension_numbers<[1], [1], [0], [0], [0, 0, 1, 0], [], []>, transpose_lhs_hint = false} : vector<64x64xf32>, vector<512x64xf32>, vector<64x512xf32> -> vector<64x512xf32>
    %swap3A_279 = arith.constant 27 : index
    %swap3A_280 = arith.constant 0 : index
    %swap3A_281 = arith.constant 0 : index
    %swap3A_282 = vector.load %arg3[%swap3A_279, %swap3A_280, %swap3A_281] : memref<50x64x512xf32, #tpu.memory_space<vmem>>, vector<1x64x512xf32>
    %swap3A_283 = vector.shape_cast %swap3A_282 : vector<1x64x512xf32> to vector<64x512xf32>
    %swap3A_284 = vector.shape_cast %dot_general3A_278 : vector<64x512xf32> to vector<1x64x512xf32>
    tpu.vector_store %arg3[%swap3A_279, %swap3A_280, %swap3A_281], %swap3A_284 {strides = array<i32>} : memref<50x64x512xf32, #tpu.memory_space<vmem>>, vector<1x64x512xf32>,
    %slice3A_285 = vector.extract_strided_slice %reshape3A {offsets = [0, 14, 0], sizes = [512, 1, 64], strides = [1, 1, 1]} : vector<512x25x64xf32> to vector<512x1x64xf32>
    %squeeze3A_286 = vector.shape_cast %slice3A_285 : vector<512x1x64xf32> to vector<512x64xf32>
    %dot_general3A_287 = arith.constant dense<0.000000e+00> : vector<64x512xf32>
    %dot_general3A_288 = tpu.matmul %get3A_1, %squeeze3A_286, %dot_general3A_287 {dimension_numbers = #tpu.dot_dimension_numbers<[1], [1], [0], [0], [0, 0, 1, 0], [], []>, transpose_lhs_hint = false} : vector<64x64xf32>, vector<512x64xf32>, vector<64x512xf32> -> vector<64x512xf32>
    %swap3A_289 = arith.constant 28 : index
    %swap3A_290 = arith.constant 0 : index
    %swap3A_291 = arith.constant 0 : index
    %swap3A_292 = vector.load %arg3[%swap3A_289, %swap3A_290, %swap3A_291] : memref<50x64x512xf32, #tpu.memory_space<vmem>>, vector<1x64x512xf32>
    %swap3A_293 = vector.shape_cast %swap3A_292 : vector<1x64x512xf32> to vector<64x512xf32>
    %swap3A_294 = vector.shape_cast %dot_general3A_288 : vector<64x512xf32> to vector<1x64x512xf32>
    tpu.vector_store %arg3[%swap3A_289, %swap3A_290, %swap3A_291], %swap3A_294 {strides = array<i32>} : memref<50x64x512xf32, #tpu.memory_space<vmem>>, vector<1x64x512xf32>,
    %slice3A_295 = vector.extract_strided_slice %reshape3A_8 {offsets = [0, 14, 0], sizes = [512, 1, 64], strides = [1, 1, 1]} : vector<512x25x64xf32> to vector<512x1x64xf32>
    %squeeze3A_296 = vector.shape_cast %slice3A_295 : vector<512x1x64xf32> to vector<512x64xf32>
    %dot_general3A_297 = arith.constant dense<0.000000e+00> : vector<64x512xf32>
    %dot_general3A_298 = tpu.matmul %get3A_1, %squeeze3A_296, %dot_general3A_297 {dimension_numbers = #tpu.dot_dimension_numbers<[1], [1], [0], [0], [0, 0, 1, 0], [], []>, transpose_lhs_hint = false} : vector<64x64xf32>, vector<512x64xf32>, vector<64x512xf32> -> vector<64x512xf32>
    %swap3A_299 = arith.constant 29 : index
    %swap3A_300 = arith.constant 0 : index
    %swap3A_301 = arith.constant 0 : index
    %swap3A_302 = vector.load %arg3[%swap3A_299, %swap3A_300, %swap3A_301] : memref<50x64x512xf32, #tpu.memory_space<vmem>>, vector<1x64x512xf32>
    %swap3A_303 = vector.shape_cast %swap3A_302 : vector<1x64x512xf32> to vector<64x512xf32>
    %swap3A_304 = vector.shape_cast %dot_general3A_298 : vector<64x512xf32> to vector<1x64x512xf32>
    tpu.vector_store %arg3[%swap3A_299, %swap3A_300, %swap3A_301], %swap3A_304 {strides = array<i32>} : memref<50x64x512xf32, #tpu.memory_space<vmem>>, vector<1x64x512xf32>,
    %slice3A_305 = vector.extract_strided_slice %reshape3A {offsets = [0, 15, 0], sizes = [512, 1, 64], strides = [1, 1, 1]} : vector<512x25x64xf32> to vector<512x1x64xf32>
    %squeeze3A_306 = vector.shape_cast %slice3A_305 : vector<512x1x64xf32> to vector<512x64xf32>
    %dot_general3A_307 = arith.constant dense<0.000000e+00> : vector<64x512xf32>
    %dot_general3A_308 = tpu.matmul %get3A_1, %squeeze3A_306, %dot_general3A_307 {dimension_numbers = #tpu.dot_dimension_numbers<[1], [1], [0], [0], [0, 0, 1, 0], [], []>, transpose_lhs_hint = false} : vector<64x64xf32>, vector<512x64xf32>, vector<64x512xf32> -> vector<64x512xf32>
    %swap3A_309 = arith.constant 30 : index
    %swap3A_310 = arith.constant 0 : index
    %swap3A_311 = arith.constant 0 : index
    %swap3A_312 = vector.load %arg3[%swap3A_309, %swap3A_310, %swap3A_311] : memref<50x64x512xf32, #tpu.memory_space<vmem>>, vector<1x64x512xf32>
    %swap3A_313 = vector.shape_cast %swap3A_312 : vector<1x64x512xf32> to vector<64x512xf32>
    %swap3A_314 = vector.shape_cast %dot_general3A_308 : vector<64x512xf32> to vector<1x64x512xf32>
    tpu.vector_store %arg3[%swap3A_309, %swap3A_310, %swap3A_311], %swap3A_314 {strides = array<i32>} : memref<50x64x512xf32, #tpu.memory_space<vmem>>, vector<1x64x512xf32>,
    %slice3A_315 = vector.extract_strided_slice %reshape3A_8 {offsets = [0, 15, 0], sizes = [512, 1, 64], strides = [1, 1, 1]} : vector<512x25x64xf32> to vector<512x1x64xf32>
    %squeeze3A_316 = vector.shape_cast %slice3A_315 : vector<512x1x64xf32> to vector<512x64xf32>
    %dot_general3A_317 = arith.constant dense<0.000000e+00> : vector<64x512xf32>
    %dot_general3A_318 = tpu.matmul %get3A_1, %squeeze3A_316, %dot_general3A_317 {dimension_numbers = #tpu.dot_dimension_numbers<[1], [1], [0], [0], [0, 0, 1, 0], [], []>, transpose_lhs_hint = false} : vector<64x64xf32>, vector<512x64xf32>, vector<64x512xf32> -> vector<64x512xf32>
    %swap3A_319 = arith.constant 31 : index
    %swap3A_320 = arith.constant 0 : index
    %swap3A_321 = arith.constant 0 : index
    %swap3A_322 = vector.load %arg3[%swap3A_319, %swap3A_320, %swap3A_321] : memref<50x64x512xf32, #tpu.memory_space<vmem>>, vector<1x64x512xf32>
    %swap3A_323 = vector.shape_cast %swap3A_322 : vector<1x64x512xf32> to vector<64x512xf32>
    %swap3A_324 = vector.shape_cast %dot_general3A_318 : vector<64x512xf32> to vector<1x64x512xf32>
    tpu.vector_store %arg3[%swap3A_319, %swap3A_320, %swap3A_321], %swap3A_324 {strides = array<i32>} : memref<50x64x512xf32, #tpu.memory_space<vmem>>, vector<1x64x512xf32>,
    %slice3A_325 = vector.extract_strided_slice %reshape3A {offsets = [0, 16, 0], sizes = [512, 1, 64], strides = [1, 1, 1]} : vector<512x25x64xf32> to vector<512x1x64xf32>
    %squeeze3A_326 = vector.shape_cast %slice3A_325 : vector<512x1x64xf32> to vector<512x64xf32>
    %dot_general3A_327 = arith.constant dense<0.000000e+00> : vector<64x512xf32>
    %dot_general3A_328 = tpu.matmul %get3A_1, %squeeze3A_326, %dot_general3A_327 {dimension_numbers = #tpu.dot_dimension_numbers<[1], [1], [0], [0], [0, 0, 1, 0], [], []>, transpose_lhs_hint = false} : vector<64x64xf32>, vector<512x64xf32>, vector<64x512xf32> -> vector<64x512xf32>
    %swap3A_329 = arith.constant 32 : index
    %swap3A_330 = arith.constant 0 : index
    %swap3A_331 = arith.constant 0 : index
    %swap3A_332 = vector.load %arg3[%swap3A_329, %swap3A_330, %swap3A_331] : memref<50x64x512xf32, #tpu.memory_space<vmem>>, vector<1x64x512xf32>
    %swap3A_333 = vector.shape_cast %swap3A_332 : vector<1x64x512xf32> to vector<64x512xf32>
    %swap3A_334 = vector.shape_cast %dot_general3A_328 : vector<64x512xf32> to vector<1x64x512xf32>
    tpu.vector_store %arg3[%swap3A_329, %swap3A_330, %swap3A_331], %swap3A_334 {strides = array<i32>} : memref<50x64x512xf32, #tpu.memory_space<vmem>>, vector<1x64x512xf32>,
    %slice3A_335 = vector.extract_strided_slice %reshape3A_8 {offsets = [0, 16, 0], sizes = [512, 1, 64], strides = [1, 1, 1]} : vector<512x25x64xf32> to vector<512x1x64xf32>
    %squeeze3A_336 = vector.shape_cast %slice3A_335 : vector<512x1x64xf32> to vector<512x64xf32>
    %dot_general3A_337 = arith.constant dense<0.000000e+00> : vector<64x512xf32>
    %dot_general3A_338 = tpu.matmul %get3A_1, %squeeze3A_336, %dot_general3A_337 {dimension_numbers = #tpu.dot_dimension_numbers<[1], [1], [0], [0], [0, 0, 1, 0], [], []>, transpose_lhs_hint = false} : vector<64x64xf32>, vector<512x64xf32>, vector<64x512xf32> -> vector<64x512xf32>
    %swap3A_339 = arith.constant 33 : index
    %swap3A_340 = arith.constant 0 : index
    %swap3A_341 = arith.constant 0 : index
    %swap3A_342 = vector.load %arg3[%swap3A_339, %swap3A_340, %swap3A_341] : memref<50x64x512xf32, #tpu.memory_space<vmem>>, vector<1x64x512xf32>
    %swap3A_343 = vector.shape_cast %swap3A_342 : vector<1x64x512xf32> to vector<64x512xf32>
    %swap3A_344 = vector.shape_cast %dot_general3A_338 : vector<64x512xf32> to vector<1x64x512xf32>
    tpu.vector_store %arg3[%swap3A_339, %swap3A_340, %swap3A_341], %swap3A_344 {strides = array<i32>} : memref<50x64x512xf32, #tpu.memory_space<vmem>>, vector<1x64x512xf32>,
    %slice3A_345 = vector.extract_strided_slice %reshape3A {offsets = [0, 17, 0], sizes = [512, 1, 64], strides = [1, 1, 1]} : vector<512x25x64xf32> to vector<512x1x64xf32>
    %squeeze3A_346 = vector.shape_cast %slice3A_345 : vector<512x1x64xf32> to vector<512x64xf32>
    %dot_general3A_347 = arith.constant dense<0.000000e+00> : vector<64x512xf32>
    %dot_general3A_348 = tpu.matmul %get3A_1, %squeeze3A_346, %dot_general3A_347 {dimension_numbers = #tpu.dot_dimension_numbers<[1], [1], [0], [0], [0, 0, 1, 0], [], []>, transpose_lhs_hint = false} : vector<64x64xf32>, vector<512x64xf32>, vector<64x512xf32> -> vector<64x512xf32>
    %swap3A_349 = arith.constant 34 : index
    %swap3A_350 = arith.constant 0 : index
    %swap3A_351 = arith.constant 0 : index
    %swap3A_352 = vector.load %arg3[%swap3A_349, %swap3A_350, %swap3A_351] : memref<50x64x512xf32, #tpu.memory_space<vmem>>, vector<1x64x512xf32>
    %swap3A_353 = vector.shape_cast %swap3A_352 : vector<1x64x512xf32> to vector<64x512xf32>
    %swap3A_354 = vector.shape_cast %dot_general3A_348 : vector<64x512xf32> to vector<1x64x512xf32>
    tpu.vector_store %arg3[%swap3A_349, %swap3A_350, %swap3A_351], %swap3A_354 {strides = array<i32>} : memref<50x64x512xf32, #tpu.memory_space<vmem>>, vector<1x64x512xf32>,
    %slice3A_355 = vector.extract_strided_slice %reshape3A_8 {offsets = [0, 17, 0], sizes = [512, 1, 64], strides = [1, 1, 1]} : vector<512x25x64xf32> to vector<512x1x64xf32>
    %squeeze3A_356 = vector.shape_cast %slice3A_355 : vector<512x1x64xf32> to vector<512x64xf32>
    %dot_general3A_357 = arith.constant dense<0.000000e+00> : vector<64x512xf32>
    %dot_general3A_358 = tpu.matmul %get3A_1, %squeeze3A_356, %dot_general3A_357 {dimension_numbers = #tpu.dot_dimension_numbers<[1], [1], [0], [0], [0, 0, 1, 0], [], []>, transpose_lhs_hint = false} : vector<64x64xf32>, vector<512x64xf32>, vector<64x512xf32> -> vector<64x512xf32>
    %swap3A_359 = arith.constant 35 : index
    %swap3A_360 = arith.constant 0 : index
    %swap3A_361 = arith.constant 0 : index
    %swap3A_362 = vector.load %arg3[%swap3A_359, %swap3A_360, %swap3A_361] : memref<50x64x512xf32, #tpu.memory_space<vmem>>, vector<1x64x512xf32>
    %swap3A_363 = vector.shape_cast %swap3A_362 : vector<1x64x512xf32> to vector<64x512xf32>
    %swap3A_364 = vector.shape_cast %dot_general3A_358 : vector<64x512xf32> to vector<1x64x512xf32>
    tpu.vector_store %arg3[%swap3A_359, %swap3A_360, %swap3A_361], %swap3A_364 {strides = array<i32>} : memref<50x64x512xf32, #tpu.memory_space<vmem>>, vector<1x64x512xf32>,
    %slice3A_365 = vector.extract_strided_slice %reshape3A {offsets = [0, 18, 0], sizes = [512, 1, 64], strides = [1, 1, 1]} : vector<512x25x64xf32> to vector<512x1x64xf32>
    %squeeze3A_366 = vector.shape_cast %slice3A_365 : vector<512x1x64xf32> to vector<512x64xf32>
    %dot_general3A_367 = arith.constant dense<0.000000e+00> : vector<64x512xf32>
    %dot_general3A_368 = tpu.matmul %get3A_1, %squeeze3A_366, %dot_general3A_367 {dimension_numbers = #tpu.dot_dimension_numbers<[1], [1], [0], [0], [0, 0, 1, 0], [], []>, transpose_lhs_hint = false} : vector<64x64xf32>, vector<512x64xf32>, vector<64x512xf32> -> vector<64x512xf32>
    %swap3A_369 = arith.constant 36 : index
    %swap3A_370 = arith.constant 0 : index
    %swap3A_371 = arith.constant 0 : index
    %swap3A_372 = vector.load %arg3[%swap3A_369, %swap3A_370, %swap3A_371] : memref<50x64x512xf32, #tpu.memory_space<vmem>>, vector<1x64x512xf32>
    %swap3A_373 = vector.shape_cast %swap3A_372 : vector<1x64x512xf32> to vector<64x512xf32>
    %swap3A_374 = vector.shape_cast %dot_general3A_368 : vector<64x512xf32> to vector<1x64x512xf32>
    tpu.vector_store %arg3[%swap3A_369, %swap3A_370, %swap3A_371], %swap3A_374 {strides = array<i32>} : memref<50x64x512xf32, #tpu.memory_space<vmem>>, vector<1x64x512xf32>,
    %slice3A_375 = vector.extract_strided_slice %reshape3A_8 {offsets = [0, 18, 0], sizes = [512, 1, 64], strides = [1, 1, 1]} : vector<512x25x64xf32> to vector<512x1x64xf32>
    %squeeze3A_376 = vector.shape_cast %slice3A_375 : vector<512x1x64xf32> to vector<512x64xf32>
    %dot_general3A_377 = arith.constant dense<0.000000e+00> : vector<64x512xf32>
    %dot_general3A_378 = tpu.matmul %get3A_1, %squeeze3A_376, %dot_general3A_377 {dimension_numbers = #tpu.dot_dimension_numbers<[1], [1], [0], [0], [0, 0, 1, 0], [], []>, transpose_lhs_hint = false} : vector<64x64xf32>, vector<512x64xf32>, vector<64x512xf32> -> vector<64x512xf32>
    %swap3A_379 = arith.constant 37 : index
    %swap3A_380 = arith.constant 0 : index
    %swap3A_381 = arith.constant 0 : index
    %swap3A_382 = vector.load %arg3[%swap3A_379, %swap3A_380, %swap3A_381] : memref<50x64x512xf32, #tpu.memory_space<vmem>>, vector<1x64x512xf32>
    %swap3A_383 = vector.shape_cast %swap3A_382 : vector<1x64x512xf32> to vector<64x512xf32>
    %swap3A_384 = vector.shape_cast %dot_general3A_378 : vector<64x512xf32> to vector<1x64x512xf32>
    tpu.vector_store %arg3[%swap3A_379, %swap3A_380, %swap3A_381], %swap3A_384 {strides = array<i32>} : memref<50x64x512xf32, #tpu.memory_space<vmem>>, vector<1x64x512xf32>,
    %slice3A_385 = vector.extract_strided_slice %reshape3A {offsets = [0, 19, 0], sizes = [512, 1, 64], strides = [1, 1, 1]} : vector<512x25x64xf32> to vector<512x1x64xf32>
    %squeeze3A_386 = vector.shape_cast %slice3A_385 : vector<512x1x64xf32> to vector<512x64xf32>
    %dot_general3A_387 = arith.constant dense<0.000000e+00> : vector<64x512xf32>
    %dot_general3A_388 = tpu.matmul %get3A_1, %squeeze3A_386, %dot_general3A_387 {dimension_numbers = #tpu.dot_dimension_numbers<[1], [1], [0], [0], [0, 0, 1, 0], [], []>, transpose_lhs_hint = false} : vector<64x64xf32>, vector<512x64xf32>, vector<64x512xf32> -> vector<64x512xf32>
    %swap3A_389 = arith.constant 38 : index
    %swap3A_390 = arith.constant 0 : index
    %swap3A_391 = arith.constant 0 : index
    %swap3A_392 = vector.load %arg3[%swap3A_389, %swap3A_390, %swap3A_391] : memref<50x64x512xf32, #tpu.memory_space<vmem>>, vector<1x64x512xf32>
    %swap3A_393 = vector.shape_cast %swap3A_392 : vector<1x64x512xf32> to vector<64x512xf32>
    %swap3A_394 = vector.shape_cast %dot_general3A_388 : vector<64x512xf32> to vector<1x64x512xf32>
    tpu.vector_store %arg3[%swap3A_389, %swap3A_390, %swap3A_391], %swap3A_394 {strides = array<i32>} : memref<50x64x512xf32, #tpu.memory_space<vmem>>, vector<1x64x512xf32>,
    %slice3A_395 = vector.extract_strided_slice %reshape3A_8 {offsets = [0, 19, 0], sizes = [512, 1, 64], strides = [1, 1, 1]} : vector<512x25x64xf32> to vector<512x1x64xf32>
    %squeeze3A_396 = vector.shape_cast %slice3A_395 : vector<512x1x64xf32> to vector<512x64xf32>
    %dot_general3A_397 = arith.constant dense<0.000000e+00> : vector<64x512xf32>
    %dot_general3A_398 = tpu.matmul %get3A_1, %squeeze3A_396, %dot_general3A_397 {dimension_numbers = #tpu.dot_dimension_numbers<[1], [1], [0], [0], [0, 0, 1, 0], [], []>, transpose_lhs_hint = false} : vector<64x64xf32>, vector<512x64xf32>, vector<64x512xf32> -> vector<64x512xf32>
    %swap3A_399 = arith.constant 39 : index
    %swap3A_400 = arith.constant 0 : index
    %swap3A_401 = arith.constant 0 : index
    %swap3A_402 = vector.load %arg3[%swap3A_399, %swap3A_400, %swap3A_401] : memref<50x64x512xf32, #tpu.memory_space<vmem>>, vector<1x64x512xf32>
    %swap3A_403 = vector.shape_cast %swap3A_402 : vector<1x64x512xf32> to vector<64x512xf32>
    %swap3A_404 = vector.shape_cast %dot_general3A_398 : vector<64x512xf32> to vector<1x64x512xf32>
    tpu.vector_store %arg3[%swap3A_399, %swap3A_400, %swap3A_401], %swap3A_404 {strides = array<i32>} : memref<50x64x512xf32, #tpu.memory_space<vmem>>, vector<1x64x512xf32>,
    %slice3A_405 = vector.extract_strided_slice %reshape3A {offsets = [0, 20, 0], sizes = [512, 1, 64], strides = [1, 1, 1]} : vector<512x25x64xf32> to vector<512x1x64xf32>
    %squeeze3A_406 = vector.shape_cast %slice3A_405 : vector<512x1x64xf32> to vector<512x64xf32>
    %dot_general3A_407 = arith.constant dense<0.000000e+00> : vector<64x512xf32>
    %dot_general3A_408 = tpu.matmul %get3A_1, %squeeze3A_406, %dot_general3A_407 {dimension_numbers = #tpu.dot_dimension_numbers<[1], [1], [0], [0], [0, 0, 1, 0], [], []>, transpose_lhs_hint = false} : vector<64x64xf32>, vector<512x64xf32>, vector<64x512xf32> -> vector<64x512xf32>
    %swap3A_409 = arith.constant 40 : index
    %swap3A_410 = arith.constant 0 : index
    %swap3A_411 = arith.constant 0 : index
    %swap3A_412 = vector.load %arg3[%swap3A_409, %swap3A_410, %swap3A_411] : memref<50x64x512xf32, #tpu.memory_space<vmem>>, vector<1x64x512xf32>
    %swap3A_413 = vector.shape_cast %swap3A_412 : vector<1x64x512xf32> to vector<64x512xf32>
    %swap3A_414 = vector.shape_cast %dot_general3A_408 : vector<64x512xf32> to vector<1x64x512xf32>
    tpu.vector_store %arg3[%swap3A_409, %swap3A_410, %swap3A_411], %swap3A_414 {strides = array<i32>} : memref<50x64x512xf32, #tpu.memory_space<vmem>>, vector<1x64x512xf32>,
    %slice3A_415 = vector.extract_strided_slice %reshape3A_8 {offsets = [0, 20, 0], sizes = [512, 1, 64], strides = [1, 1, 1]} : vector<512x25x64xf32> to vector<512x1x64xf32>
    %squeeze3A_416 = vector.shape_cast %slice3A_415 : vector<512x1x64xf32> to vector<512x64xf32>
    %dot_general3A_417 = arith.constant dense<0.000000e+00> : vector<64x512xf32>
    %dot_general3A_418 = tpu.matmul %get3A_1, %squeeze3A_416, %dot_general3A_417 {dimension_numbers = #tpu.dot_dimension_numbers<[1], [1], [0], [0], [0, 0, 1, 0], [], []>, transpose_lhs_hint = false} : vector<64x64xf32>, vector<512x64xf32>, vector<64x512xf32> -> vector<64x512xf32>
    %swap3A_419 = arith.constant 41 : index
    %swap3A_420 = arith.constant 0 : index
    %swap3A_421 = arith.constant 0 : index
    %swap3A_422 = vector.load %arg3[%swap3A_419, %swap3A_420, %swap3A_421] : memref<50x64x512xf32, #tpu.memory_space<vmem>>, vector<1x64x512xf32>
    %swap3A_423 = vector.shape_cast %swap3A_422 : vector<1x64x512xf32> to vector<64x512xf32>
    %swap3A_424 = vector.shape_cast %dot_general3A_418 : vector<64x512xf32> to vector<1x64x512xf32>
    tpu.vector_store %arg3[%swap3A_419, %swap3A_420, %swap3A_421], %swap3A_424 {strides = array<i32>} : memref<50x64x512xf32, #tpu.memory_space<vmem>>, vector<1x64x512xf32>,
    %slice3A_425 = vector.extract_strided_slice %reshape3A {offsets = [0, 21, 0], sizes = [512, 1, 64], strides = [1, 1, 1]} : vector<512x25x64xf32> to vector<512x1x64xf32>
    %squeeze3A_426 = vector.shape_cast %slice3A_425 : vector<512x1x64xf32> to vector<512x64xf32>
    %dot_general3A_427 = arith.constant dense<0.000000e+00> : vector<64x512xf32>
    %dot_general3A_428 = tpu.matmul %get3A_1, %squeeze3A_426, %dot_general3A_427 {dimension_numbers = #tpu.dot_dimension_numbers<[1], [1], [0], [0], [0, 0, 1, 0], [], []>, transpose_lhs_hint = false} : vector<64x64xf32>, vector<512x64xf32>, vector<64x512xf32> -> vector<64x512xf32>
    %swap3A_429 = arith.constant 42 : index
    %swap3A_430 = arith.constant 0 : index
    %swap3A_431 = arith.constant 0 : index
    %swap3A_432 = vector.load %arg3[%swap3A_429, %swap3A_430, %swap3A_431] : memref<50x64x512xf32, #tpu.memory_space<vmem>>, vector<1x64x512xf32>
    %swap3A_433 = vector.shape_cast %swap3A_432 : vector<1x64x512xf32> to vector<64x512xf32>
    %swap3A_434 = vector.shape_cast %dot_general3A_428 : vector<64x512xf32> to vector<1x64x512xf32>
    tpu.vector_store %arg3[%swap3A_429, %swap3A_430, %swap3A_431], %swap3A_434 {strides = array<i32>} : memref<50x64x512xf32, #tpu.memory_space<vmem>>, vector<1x64x512xf32>,
    %slice3A_435 = vector.extract_strided_slice %reshape3A_8 {offsets = [0, 21, 0], sizes = [512, 1, 64], strides = [1, 1, 1]} : vector<512x25x64xf32> to vector<512x1x64xf32>
    %squeeze3A_436 = vector.shape_cast %slice3A_435 : vector<512x1x64xf32> to vector<512x64xf32>
    %dot_general3A_437 = arith.constant dense<0.000000e+00> : vector<64x512xf32>
    %dot_general3A_438 = tpu.matmul %get3A_1, %squeeze3A_436, %dot_general3A_437 {dimension_numbers = #tpu.dot_dimension_numbers<[1], [1], [0], [0], [0, 0, 1, 0], [], []>, transpose_lhs_hint = false} : vector<64x64xf32>, vector<512x64xf32>, vector<64x512xf32> -> vector<64x512xf32>
    %swap3A_439 = arith.constant 43 : index
    %swap3A_440 = arith.constant 0 : index
    %swap3A_441 = arith.constant 0 : index
    %swap3A_442 = vector.load %arg3[%swap3A_439, %swap3A_440, %swap3A_441] : memref<50x64x512xf32, #tpu.memory_space<vmem>>, vector<1x64x512xf32>
    %swap3A_443 = vector.shape_cast %swap3A_442 : vector<1x64x512xf32> to vector<64x512xf32>
    %swap3A_444 = vector.shape_cast %dot_general3A_438 : vector<64x512xf32> to vector<1x64x512xf32>
    tpu.vector_store %arg3[%swap3A_439, %swap3A_440, %swap3A_441], %swap3A_444 {strides = array<i32>} : memref<50x64x512xf32, #tpu.memory_space<vmem>>, vector<1x64x512xf32>,
    %slice3A_445 = vector.extract_strided_slice %reshape3A {offsets = [0, 22, 0], sizes = [512, 1, 64], strides = [1, 1, 1]} : vector<512x25x64xf32> to vector<512x1x64xf32>
    %squeeze3A_446 = vector.shape_cast %slice3A_445 : vector<512x1x64xf32> to vector<512x64xf32>
    %dot_general3A_447 = arith.constant dense<0.000000e+00> : vector<64x512xf32>
    %dot_general3A_448 = tpu.matmul %get3A_1, %squeeze3A_446, %dot_general3A_447 {dimension_numbers = #tpu.dot_dimension_numbers<[1], [1], [0], [0], [0, 0, 1, 0], [], []>, transpose_lhs_hint = false} : vector<64x64xf32>, vector<512x64xf32>, vector<64x512xf32> -> vector<64x512xf32>
    %swap3A_449 = arith.constant 44 : index
    %swap3A_450 = arith.constant 0 : index
    %swap3A_451 = arith.constant 0 : index
    %swap3A_452 = vector.load %arg3[%swap3A_449, %swap3A_450, %swap3A_451] : memref<50x64x512xf32, #tpu.memory_space<vmem>>, vector<1x64x512xf32>
    %swap3A_453 = vector.shape_cast %swap3A_452 : vector<1x64x512xf32> to vector<64x512xf32>
    %swap3A_454 = vector.shape_cast %dot_general3A_448 : vector<64x512xf32> to vector<1x64x512xf32>
    tpu.vector_store %arg3[%swap3A_449, %swap3A_450, %swap3A_451], %swap3A_454 {strides = array<i32>} : memref<50x64x512xf32, #tpu.memory_space<vmem>>, vector<1x64x512xf32>,
    %slice3A_455 = vector.extract_strided_slice %reshape3A_8 {offsets = [0, 22, 0], sizes = [512, 1, 64], strides = [1, 1, 1]} : vector<512x25x64xf32> to vector<512x1x64xf32>
    %squeeze3A_456 = vector.shape_cast %slice3A_455 : vector<512x1x64xf32> to vector<512x64xf32>
    %dot_general3A_457 = arith.constant dense<0.000000e+00> : vector<64x512xf32>
    %dot_general3A_458 = tpu.matmul %get3A_1, %squeeze3A_456, %dot_general3A_457 {dimension_numbers = #tpu.dot_dimension_numbers<[1], [1], [0], [0], [0, 0, 1, 0], [], []>, transpose_lhs_hint = false} : vector<64x64xf32>, vector<512x64xf32>, vector<64x512xf32> -> vector<64x512xf32>
    %swap3A_459 = arith.constant 45 : index
    %swap3A_460 = arith.constant 0 : index
    %swap3A_461 = arith.constant 0 : index
    %swap3A_462 = vector.load %arg3[%swap3A_459, %swap3A_460, %swap3A_461] : memref<50x64x512xf32, #tpu.memory_space<vmem>>, vector<1x64x512xf32>
    %swap3A_463 = vector.shape_cast %swap3A_462 : vector<1x64x512xf32> to vector<64x512xf32>
    %swap3A_464 = vector.shape_cast %dot_general3A_458 : vector<64x512xf32> to vector<1x64x512xf32>
    tpu.vector_store %arg3[%swap3A_459, %swap3A_460, %swap3A_461], %swap3A_464 {strides = array<i32>} : memref<50x64x512xf32, #tpu.memory_space<vmem>>, vector<1x64x512xf32>,
    %slice3A_465 = vector.extract_strided_slice %reshape3A {offsets = [0, 23, 0], sizes = [512, 1, 64], strides = [1, 1, 1]} : vector<512x25x64xf32> to vector<512x1x64xf32>
    %squeeze3A_466 = vector.shape_cast %slice3A_465 : vector<512x1x64xf32> to vector<512x64xf32>
    %dot_general3A_467 = arith.constant dense<0.000000e+00> : vector<64x512xf32>
    %dot_general3A_468 = tpu.matmul %get3A_1, %squeeze3A_466, %dot_general3A_467 {dimension_numbers = #tpu.dot_dimension_numbers<[1], [1], [0], [0], [0, 0, 1, 0], [], []>, transpose_lhs_hint = false} : vector<64x64xf32>, vector<512x64xf32>, vector<64x512xf32> -> vector<64x512xf32>
    %swap3A_469 = arith.constant 46 : index
    %swap3A_470 = arith.constant 0 : index
    %swap3A_471 = arith.constant 0 : index
    %swap3A_472 = vector.load %arg3[%swap3A_469, %swap3A_470, %swap3A_471] : memref<50x64x512xf32, #tpu.memory_space<vmem>>, vector<1x64x512xf32>
    %swap3A_473 = vector.shape_cast %swap3A_472 : vector<1x64x512xf32> to vector<64x512xf32>
    %swap3A_474 = vector.shape_cast %dot_general3A_468 : vector<64x512xf32> to vector<1x64x512xf32>
    tpu.vector_store %arg3[%swap3A_469, %swap3A_470, %swap3A_471], %swap3A_474 {strides = array<i32>} : memref<50x64x512xf32, #tpu.memory_space<vmem>>, vector<1x64x512xf32>,
    %slice3A_475 = vector.extract_strided_slice %reshape3A_8 {offsets = [0, 23, 0], sizes = [512, 1, 64], strides = [1, 1, 1]} : vector<512x25x64xf32> to vector<512x1x64xf32>
    %squeeze3A_476 = vector.shape_cast %slice3A_475 : vector<512x1x64xf32> to vector<512x64xf32>
    %dot_general3A_477 = arith.constant dense<0.000000e+00> : vector<64x512xf32>
    %dot_general3A_478 = tpu.matmul %get3A_1, %squeeze3A_476, %dot_general3A_477 {dimension_numbers = #tpu.dot_dimension_numbers<[1], [1], [0], [0], [0, 0, 1, 0], [], []>, transpose_lhs_hint = false} : vector<64x64xf32>, vector<512x64xf32>, vector<64x512xf32> -> vector<64x512xf32>
    %swap3A_479 = arith.constant 47 : index
    %swap3A_480 = arith.constant 0 : index
    %swap3A_481 = arith.constant 0 : index
    %swap3A_482 = vector.load %arg3[%swap3A_479, %swap3A_480, %swap3A_481] : memref<50x64x512xf32, #tpu.memory_space<vmem>>, vector<1x64x512xf32>
    %swap3A_483 = vector.shape_cast %swap3A_482 : vector<1x64x512xf32> to vector<64x512xf32>
    %swap3A_484 = vector.shape_cast %dot_general3A_478 : vector<64x512xf32> to vector<1x64x512xf32>
    tpu.vector_store %arg3[%swap3A_479, %swap3A_480, %swap3A_481], %swap3A_484 {strides = array<i32>} : memref<50x64x512xf32, #tpu.memory_space<vmem>>, vector<1x64x512xf32>,
    %slice3A_485 = vector.extract_strided_slice %reshape3A {offsets = [0, 24, 0], sizes = [512, 1, 64], strides = [1, 1, 1]} : vector<512x25x64xf32> to vector<512x1x64xf32>
    %squeeze3A_486 = vector.shape_cast %slice3A_485 : vector<512x1x64xf32> to vector<512x64xf32>
    %dot_general3A_487 = arith.constant dense<0.000000e+00> : vector<64x512xf32>
    %dot_general3A_488 = tpu.matmul %get3A_1, %squeeze3A_486, %dot_general3A_487 {dimension_numbers = #tpu.dot_dimension_numbers<[1], [1], [0], [0], [0, 0, 1, 0], [], []>, transpose_lhs_hint = false} : vector<64x64xf32>, vector<512x64xf32>, vector<64x512xf32> -> vector<64x512xf32>
    %swap3A_489 = arith.constant 48 : index
    %swap3A_490 = arith.constant 0 : index
    %swap3A_491 = arith.constant 0 : index
    %swap3A_492 = vector.load %arg3[%swap3A_489, %swap3A_490, %swap3A_491] : memref<50x64x512xf32, #tpu.memory_space<vmem>>, vector<1x64x512xf32>
    %swap3A_493 = vector.shape_cast %swap3A_492 : vector<1x64x512xf32> to vector<64x512xf32>
    %swap3A_494 = vector.shape_cast %dot_general3A_488 : vector<64x512xf32> to vector<1x64x512xf32>
    tpu.vector_store %arg3[%swap3A_489, %swap3A_490, %swap3A_491], %swap3A_494 {strides = array<i32>} : memref<50x64x512xf32, #tpu.memory_space<vmem>>, vector<1x64x512xf32>,
    %slice3A_495 = vector.extract_strided_slice %reshape3A_8 {offsets = [0, 24, 0], sizes = [512, 1, 64], strides = [1, 1, 1]} : vector<512x25x64xf32> to vector<512x1x64xf32>
    %squeeze3A_496 = vector.shape_cast %slice3A_495 : vector<512x1x64xf32> to vector<512x64xf32>
    %dot_general3A_497 = arith.constant dense<0.000000e+00> : vector<64x512xf32>
    %dot_general3A_498 = tpu.matmul %get3A_1, %squeeze3A_496, %dot_general3A_497 {dimension_numbers = #tpu.dot_dimension_numbers<[1], [1], [0], [0], [0, 0, 1, 0], [], []>, transpose_lhs_hint = false} : vector<64x64xf32>, vector<512x64xf32>, vector<64x512xf32> -> vector<64x512xf32>
    %swap3A_499 = arith.constant 49 : index
    %swap3A_500 = arith.constant 0 : index
    %swap3A_501 = arith.constant 0 : index
    %swap3A_502 = vector.load %arg3[%swap3A_499, %swap3A_500, %swap3A_501] : memref<50x64x512xf32, #tpu.memory_space<vmem>>, vector<1x64x512xf32>
    %swap3A_503 = vector.shape_cast %swap3A_502 : vector<1x64x512xf32> to vector<64x512xf32>
    %swap3A_504 = vector.shape_cast %dot_general3A_498 : vector<64x512xf32> to vector<1x64x512xf32>
    tpu.vector_store %arg3[%swap3A_499, %swap3A_500, %swap3A_501], %swap3A_504 {strides = array<i32>} : memref<50x64x512xf32, #tpu.memory_space<vmem>>, vector<1x64x512xf32>,
    return
  }
  func.func @transform_0(%arg0: i32) -> (i32, i32) {
    %c0_i32 = arith.constant 0 : i32
    %c0_i32_0 = arith.constant 0 : i32
    return %arg0, %c0_i32 : i32, i32
  }
  func.func @transform_1(%arg0: i32) -> (i32, i32) {
    %c0_i32 = arith.constant 0 : i32
    %c0_i32_0 = arith.constant 0 : i32
    %c0_i32_1 = arith.constant 0 : i32
    return %c0_i32, %c0_i32_0 : i32, i32
  }
  func.func @transform_2(%arg0: i32) -> (i32, i32, i32) {
    %c0_i32 = arith.constant 0 : i32
    %c0_i32_0 = arith.constant 0 : i32
    %c0_i32_1 = arith.constant 0 : i32
    return %c0_i32, %c0_i32_0, %arg0 : i32, i32, i32
  }
}

</mosaic_0001>

<sc_bundles>
// kernel: kernel.5.cloned.1.call-start
scs
__scs_entry_jumppad:
0x0: {  	(pc) =	sbr.rel $0x88, $3  }
0x1: {  	(tag) =	ssettag $0x0;
	lr =	simm.s32 $0x1  }
0x2: {  	[smem:$0x3F9F] =	sst lr;
	_ =	strace $0xD0000000  }
0x3: {  	_ = 	snop  }
0x4: {  	_ = 	snop  }
0x5: {  	_ = 	snop  }
0x6: {  	_ = 	snop  }
0x7: {  	_ = 	snop  }
__scs_overlays_trampoline_lowered:
0x8: {  	[smem:$0x3FAE] =	sst s0  }
0x9: {  	[smem:$0x3FAF] =	sst s1  }
0xa: {  	[smem:$0x3FB0] =	sst s2  }
0xb: {  	[smem:$0x3FB1] =	sst s3  }
0xc: {  	[smem:$0x3FB2] =	sst s4  }
0xd: {  	[smem:$0x3FB3] =	sst s5  }
0xe: {  	[smem:$0x3FB4] =	sst s6  }
0xf: {  	[smem:$0x3FB5] =	sst s7  }
0x10: {  	[smem:$0x3FB6] =	sst s8  }
0x11: {  	[smem:$0x3FB7] =	sst s9;
	s0 =	simm.s32 @!p0 $0x0  }
0x12: {  	s1 =	sld [smem:$0x3F9D];
	s0 =	simm.s32 @p0 $0x1  }
0x13: {  	[smem:$0x3FB8] =	sst s0;
	s0 =	simm.s32 @!p1 $0x0  }
0x14: {  	s2 =	sld [smem:$0x3F9C];
	s0 =	simm.s32 @p1 $0x1  }
0x15: {  	[smem:$0x3FB9] =	sst s0;
	s0 =	simm.s32 @!p2 $0x0  }
0x16: {  	s3 =	sld [smem:$0x3FDB];
	s0 =	simm.s32 @p2 $0x1  }
0x17: {  	s4 =	simm.s32 $0x1BF5;
	[smem:$0x3FBB] =	sst s0  }
0x18: {  	s0 =	sld [smem:$0x3F9E];
	_ =	swait.ge [sflag:s4], $0x0  }
0x19: {  	s7 =	sld [smem:$0x3F9F]  }
0x1a: {  	s8 =	sadd.s32 $0xFFFFE003, lr  }
0x1b: {  	s9 =	sadd.s32 $0xFFFFFEF7, lr;
	s5 =	simm.s32 $0xFFFFFFFF;
	p2 =	slt.u32 s8, $0xFFFFF086  }
0x1c: {  	p1 =	slt.u32 s9, $0xF7A;
	s5 =	simm.s32 @!p2 $0x0  }
0x1d: {  	s5 =	simm.s32 @p1 $0x1;
	p0 =	seq.s32 s7, s2  }
0x1e: {  	s7 =	smul.u32 @!p0 $0xF7A, s2;
	p2 =	seq.s32 @!p0 s5, $0x0  }
0x1f: {  	s9 =	smul.u32 $0xF7A, s1;
	s8 =	simm.s32 @!p0 $0x1BF5;
	p2 =	por !p2, p0  }
0x20: {  	[sflag:s8] =	ssyncset.s32 @!p0 $0xFFFFF086;
	s6 =	sadd.s32 @!p0 s3, s7;
	s7 =	simm.s32 @!p0 $0x108  }
0x21: {  	s3 =	sadd.s32 s3, s9;
	s6 =	sadd.s32 @!p0 $0x88, s6;
	s7 =	simm.s32 @p2 $0x1082  }
0x22: {  	[simem:s7], [sflag:s8] =	dma.local @!p0 [hbm:s6], $0xF7A  }
0x23: {  	s9 =	sor.u32 $0xD0000000, s2;
	s6 =	simm.s32 $0x108;
	_ =	swait.ge @!p0 [sflag:s8], $0x0  }
0x24: {  	s3 =	sadd.s32 $0x88, s3;
	s6 =	simm.s32 @!p1 $0x1082;
	[sflag:s4] =	ssyncset.s32 $0xFFFFF086  }
0x25: {  	[simem:s6], [sflag:s4] =	dma.local [hbm:s3], $0xF7A  }
0x26: {  	[smem:$0x3F9F] =	sst s1;
	(tag) =	ssettag s2;
	_ =	strace s9  }
0x27: {  	s1 =	sld [smem:$0x3FAF]  }
0x28: {  	s2 =	sld [smem:$0x3FB0]  }
0x29: {  	s4 =	sld [smem:$0x3FB2]  }
0x2a: {  	p0 =	seq.s32 s5, $0x0;
	s5 =	sld [smem:$0x3FB3]  }
0x2b: {  	s6 =	sld [smem:$0x3FB4]  }
0x2c: {  	s7 =	sld [smem:$0x3FB5]  }
0x2d: {  	s3 =	simm.s32 $0x108;
	s8 =	sld [smem:$0x3FB6]  }
0x2e: {  	s3 =	simm.s32 @!p0 $0x1082;
	s9 =	sld [smem:$0x3FB7]  }
0x2f: {  	lr =	sadd.s32 s0, s3;
	s0 =	sld [smem:$0x3FAE]  }
0x30: {  	s3 =	sld [smem:$0x3FB1]  }
0x31: {  	[smem:$0x3FBA] =	sst s10  }
0x32: {  	s10 =	sld [smem:$0x3FB8];
	_ =	sdelay $0x3  }
0x33: {  	p0 =	seq.s32 s10, $0x1;
	s10 =	sld [smem:$0x3FBA];
	_ =	sdelay $0x3  }
0x34: {  	[smem:$0x3FBA] =	sst s10  }
0x35: {  	s10 =	sld [smem:$0x3FB9];
	_ =	sdelay $0x3  }
0x36: {  	p1 =	seq.s32 s10, $0x1;
	s10 =	sld [smem:$0x3FBA];
	_ =	sdelay $0x3  }
0x37: {  	[smem:$0x3FBA] =	sst s10  }
0x38: {  	s10 =	sld [smem:$0x3FBB]  }
0x39: {  	_ = 	snop;
	(pc) =	sbr.ind lr, $3  }
0x3a: {  	_ = 	snop  }
0x3b: {  	_ = 	snop  }
0x3c: {  	p2 =	seq.s32 s10, $0x1;
	s10 =	sld [smem:$0x3FBA]  }
0x3d: {  	_ =	shalt  }
0x3e: {  	_ =	shalt  }
0x3f: {  	_ =	shalt  }
0x40: {  	_ =	shalt  }
0x41: {  	_ =	shalt  }
0x42: {  	_ =	shalt  }
0x43: {  	_ =	shalt  }
0x44: {  	_ =	shalt  }
0x45: {  	_ =	shalt  }
0x46: {  	_ =	shalt  }
0x47: {  	_ =	shalt  }
0x48: {  	_ =	shalt  }
0x49: {  	_ =	shalt  }
0x4a: {  	_ =	shalt  }
0x4b: {  	_ =	shalt  }
0x4c: {  	_ =	shalt  }
0x4d: {  	_ =	shalt  }
0x4e: {  	_ =	shalt  }
0x4f: {  	_ =	shalt  }
0x50: {  	_ =	shalt  }
0x51: {  	_ =	shalt  }
0x52: {  	_ =	shalt  }
0x53: {  	_ =	shalt  }
0x54: {  	_ =	shalt  }
0x55: {  	_ =	shalt  }
0x56: {  	_ =	shalt  }
0x57: {  	_ =	shalt  }
0x58: {  	_ =	shalt  }
0x59: {  	_ =	shalt  }
0x5a: {  	_ =	shalt  }
0x5b: {  	_ =	shalt  }
0x5c: {  	_ =	shalt  }
0x5d: {  	_ =	shalt  }
0x5e: {  	_ =	shalt  }
0x5f: {  	_ =	shalt  }
0x60: {  	_ =	shalt  }
0x61: {  	_ =	shalt  }
0x62: {  	_ =	shalt  }
0x63: {  	_ =	shalt  }
0x64: {  	_ =	shalt  }
0x65: {  	_ =	shalt  }
0x66: {  	_ =	shalt  }
0x67: {  	_ =	shalt  }
0x68: {  	_ =	shalt  }
0x69: {  	_ =	shalt  }
0x6a: {  	_ =	shalt  }
0x6b: {  	_ =	shalt  }
0x6c: {  	_ =	shalt  }
0x6d: {  	_ =	shalt  }
0x6e: {  	_ =	shalt  }
0x6f: {  	_ =	shalt  }
0x70: {  	_ =	shalt  }
0x71: {  	_ =	shalt  }
0x72: {  	_ =	shalt  }
0x73: {  	_ =	shalt  }
0x74: {  	_ =	shalt  }
0x75: {  	_ =	shalt  }
0x76: {  	_ =	shalt  }
0x77: {  	_ =	shalt  }
0x78: {  	_ =	shalt  }
0x79: {  	_ =	shalt  }
0x7a: {  	_ =	shalt  }
0x7b: {  	_ =	shalt  }
0x7c: {  	_ =	shalt  }
0x7d: {  	_ =	shalt  }
0x7e: {  	_ =	shalt  }
0x7f: {  	_ =	shalt  }
0x80: {  	_ =	shalt  }
0x81: {  	_ =	shalt  }
0x82: {  	_ =	shalt  }
0x83: {  	_ =	shalt  }
0x84: {  	_ =	shalt  }
0x85: {  	_ =	shalt  }
0x86: {  	_ =	shalt  }
0x87: {  	_ =	shalt  }
.Lfunc_end0:
.L_simem_size_0:
called_computation_lowered:
.L_overlay_start_0:
0x88: {  	s2 =	sld [smem:$0x3FD9]  }
0x89: {  	s3 =	sld [smem:$0x3FFE];
	_ =	sdelay $0x1  }
0x8a: {  	s1 =	srdreg.scid  }
0x8b: {  	s0 =	sand.u32 $0x1, s1  }
0x8c: {  	s17 =	sshll.u32 s0, $0xA;
	s2 =	sadd.s32 s3, s2  }
0x8d: {  	s2 =	sadd.s32 s2, s17  }
0x8e: {  	[smem:$0x3FC6] =	sst s2  }
0x8f: {  	_ = 	snop  }
0x90: {  	s2 =	sld [smem:$0x3FD0];
	(tm) =	ssettm $0x1  }
0x91: {  	s18 =	sld [smem:$0x3FFB];
	_ =	sdelay $0x3  }
0x92: {  	_ =	strace s18  }
0x93: {  	s3 =	sld [smem:$0x3FFC];
	_ =	sdelay $0x3  }
0x94: {  	_ =	strace s3  }
0x95: {  	s3 =	sld [smem:$0x3FFD];
	_ =	sdelay $0x3  }
0x96: {  	_ =	strace s3  }
0x97: {  	_ =	strace $0x8FFFFFFF  }
0x98: {  	s19 =	sld [smem:$0x3FDB];
	_ =	sdelay $0x1  }
0x99: {  	s4 =	simm.s32 $_scs_section_size  }
0x9a: {  	s5 =	simm.s32 $_size__tile_overlayer_lowered;
	s6 =	simm.s32 $_tile_overlayer_lowered  }
0x9b: {  	s22 =	simm.s32 $0x1BFF;
	s21 =	sshll.u32 s6, $0x1;
	s3 =	sadd.s32 s4, s19  }
0x9c: {  	s7 =	simm.s32 $0x0;
	s20 =	sshll.u32 s5, $0x1;
	s5 =	sadd.s32 s21, s3  }
0x9d: {  	[timem:s7], [sflag:s22] =	dma.local [hbm:s5], s20  }
0x9e: {  	_ =	swait.ge [sflag:s22], s20  }
0x9f: {  	s4 =	ssub.s32 $0x0, s20;
	[sflag:s22] =	ssyncset.done $0x0  }
0xa0: {  	[sflag:s22] =	ssyncadd.s32 s4;
	_ =	sdelay $0x1  }
0xa1: {  	s23 =	simm.s32 $0x1B8B  }
0xa2: {  	_ =	swait.ge [sflag:s23], $0x1  }
0xa3: {  	[sflag:s23] =	ssyncset.done $0x0  }
0xa4: {  	s25 =	simm.s32 $0x1B8E;
	s24 =	sld [smem:$0x3FFE];
	[sflag:s23] =	ssyncadd.s32 $0xFFFFFFFF  }
0xa5: {  	s26 =	simm.s32 $execute0_lowered;
	[smem:$0x3FD2] =	sst s25  }
0xa6: {  	s5 =	sshll.u32 s26, $0x1;
	_ =	strace $0x80000046;
	[dreg:$0x1] =	wrdreg $0xFFFFFFFF  }
0xa7: {  	s28 =	simm.s32 $_size_execute0_lowered;
	s3 =	sadd.s32 s3, s5;
	[dreg:$0x0] =	wrdreg $0x0  }
0xa8: {  	s5 =	sshll.u32 s28, $0x1;
	[dreg:$0x2] =	wrdreg s3  }
0xa9: {  	[dreg:$0x3] =	wrdreg s5  }
0xaa: {  	[dreg:$0x4] =	wrdreg $0xC0  }
0xab: {  	_ =	task [dreg:s7], $0x5FFFF  }
0xac: {  	[dreg:$0x1] =	wrdreg $0xFFFFFFFF  }
0xad: {  	[dreg:$0x0] =	wrdreg $0x60  }
0xae: {  	[dreg:$0x2] =	wrdreg s2  }
0xaf: {  	[dreg:$0x3] =	wrdreg s24  }
0xb0: {  	[dreg:$0x4] =	wrdreg $0x9  }
0xb1: {  	_ =	task.clear_ibuf [dreg:s7], $0x5FFFF;
	_ =	strace $0x90000046  }
0xb2: {  	s29 =	simm.s32 $0x9;
	_ =	strace $0x80000048  }
0xb3: {  	_ =	swait.ge [sflag:s29], $0x1  }
0xb4: {  	[sflag:s29] =	ssyncadd.s32 $0xFFFFFFFF  }
0xb5: {  	_ =	strace $0x90000048  }
0xb6: {  	_ =	sfence  }
0xb7: {  	s30 =	sld [smem:$0x0];
	_ =	sdelay $0x2  }
0xb8: {  	s31 =	sshll.u32 s1, $0xD;
	s1 =	sshrl.u32 s1, $0x2  }
0xb9: {  	s3 =	sand.u32 $0x4000, s31;
	s1 =	sadd.s32 s1, s30  }
0xba: {  	s0 =	sor.u32 s3, s0;
	s1 =	sshll.u32 s1, $0x11  }
0xbb: {  	s0 =	sor.u32 s1, s0  }
0xbc: {  	s0 =	sadd.s32 $0x8F2B, s0  }
0xbd: {  	[sflag:s0] =	ssyncadd.remote.s32 $0x1  }
0xbe: {  	_ =	sfence.sel $0xFFFF  }
0xbf: {  	[dreg:$0x0] =	wrdreg $0xFFFFFFFF;
	(pc) =	sbr.abs _section_cstart, $3  }
0xc0: {  	[dreg:$0x1] =	wrdreg $0xFFFFFFFF  }
0xc1: {  	_ =	task.clear_ibuf [dreg:s7], $0x2FFFF;
	_ =	strace $0x9FFFFFFF  }
0xc2: {  	(tm) =	ssettm $0x7FFFFFFF  }
0xc3: {  	_ =	shalt  }
tec
execute0_lowered:
.L_overlay_start_1:
0x0: {  	(tag) =	ssettag $0x1  }
0x1: {  	s4 =	rddreg [dreg:$0x0]  }
0x2: {  	s5 =	rddreg [dreg:$0x1]  }
0x3: {  	s0 =	rddreg [dreg:$0x2]  }
0x4: {  	s3 =	srdreg.scid;
	s1 =	stileid.u32;
	s2 =	simm.s32 $0x0  }
0x5: {  	s10 =	simm.s32 $0x8400;
	s11 =	simm.s32 $0x100;
	s12 =	simm.s32 $0xA400  }
0x6: {  	s13 =	simm.s32 $0x180;
	s14 =	simm.s32 $0xC400;
	s15 =	simm.s32 $0x1  }
0x7: {  	s16 =	simm.s32 $0x2;
	s17 =	simm.s32 $0x0;
	s3 =	sand.u32 $0x1, s3  }
0x8: {  	s6 =	smul.u32 $0x320000, s1;
	[smem:$0x7FF] =	sst s2;
	s8 =	sshll.u32 s1, $0x1  }
0x9: {  	s7 =	smul.u32 $0x190000, s3;
	_ =	strace $0x80000047;
	s9 =	ssub.s32 $0x2, s3  }
.Ltmp0:
0xa: {  	s3 =	sor.u32 s3, s8;
	s31 =	sshrl.u32 s9, $0x1;
	(pc) =	sbr.rel .LBB2_1-.Ltmp0, $4  }
0xb: {  	s8 =	smul.u32 $0xC80, s3;
	s3 =	sadd.s32 $0xC00, s5;
	s6 =	sadd.s32 s7, s6  }
0xc: {  	s7 =	ssub.s32 s9, s31;
	s9 =	simm.s32 $0x6400;
	s6 =	sshrl.u32 s6, $0x3  }
0xd: {  	s4 =	sadd.s32 s4, s8;
	s8 =	simm.s32 $0x80;
	s6 =	sadd.s32 s6, s5  }
0xe: {  	s5 =	smax.u32 s7, $0x1;
	s7 =	simm.s32 $0x3;
	s6 =	sadd.s32 $0x7C0C00, s6  }
.LBB2_7:
0xf: {  	s17 =	sadd.s32 $0x1, s17  }
0x10: {  	_ =	swait.ge [sflag:s16], $0x8000;
	p0 =	sne.s32 s17, s5  }
.Ltmp1:
0x11: {  	[sflag:s16] =	ssyncset.done $0x0;
	(pc) =	sbr.rel @!p0 .LBB2_8-.Ltmp1, $4  }
0x12: {  	[sflag:s16] =	ssyncadd.s32 $0xFFFF8000  }
0x13: {  	_ =	swait.ge [sflag:s16], $0x8000  }
0x14: {  	[sflag:s16] =	ssyncset.done $0x0  }
0x15: {  	[sflag:s16] =	ssyncadd.s32 $0xFFFF8000  }
.LBB2_1:
0x16: {  	[tilespmem:s2], [sflag:$0x3] =	stream.linear.gather [hbm4b:s4+s2], $0x6400, $0x38;
	[tilespmem:$0x16400] =	vst v63  }
0x17: {  	_ =	swait.ge [sflag:s7], $0x6400  }
0x18: {  	[sflag:s7] =	ssyncset.done $0x0  }
0x19: {  	[sflag:s7] =	ssyncadd.s32 $0xFFFF9C00  }
0x1a: {  	[tilespmem:s9], [sflag:$0x1] =	stream.indirect.gather [hbm4b:s3+s8], $0x40, s2, s8, $0xb8;
	[tilespmem:$0x16400] =	vst v63  }
0x1b: {  	_ = 	snop  }
0x1c: {  	[tilespmem:s10], [sflag:$0x1] =	stream.indirect.gather [hbm4b:s3+s8], $0x40, s8, s8, $0xb8;
	[tilespmem:$0x16400] =	vst v63  }
.Ltmp2:
0x1d: {  	_ = 	snop;
	(pc) =	sbr.rel .LBB2_2-.Ltmp2, $4  }
0x1e: {  	s18 =	simm.s32 $0x0  }
0x1f: {  	[tilespmem:s12], [sflag:$0x1] =	stream.indirect.gather [hbm4b:s3+s8], $0x40, s11, s8, $0xb8;
	[tilespmem:$0x16400] =	vst v63  }
0x20: {  	s19 =	smov.u32 s6;
	s20 =	simm.s32 $0x0;
	s21 =	simm.s32 $0x0  }
0x21: {  	[tilespmem:s14], [sflag:$0x1] =	stream.indirect.gather [hbm4b:s3+s8], $0x40, s13, s8, $0xb8;
	[tilespmem:$0x16400] =	vst v63  }
.LBB2_5:
0x22: {  	s22 =	sxor.u32 $0xFFFFFFFF, s20  }
0x23: {  	s23 =	sshra.s32 s18, $0x2;
	s22 =	sand.u32 $0x8000, s22  }
0x24: {  	s25 =	sadd.s32 $0x200, s23;
	s24 =	sor.u32 $0x6400, s22  }
0x25: {  	[tilespmem:s24], [sflag:$0x1] =	stream.indirect.gather [hbm4b:s3+s8], $0x40, s25, s8, $0xb8;
	[tilespmem:$0x16400] =	vst v63  }
0x26: {  	s29 =	sadd.s32 $0x280, s23;
	s28 =	sadd.s32 $0x8400, s22  }
0x27: {  	[tilespmem:s28], [sflag:$0x1] =	stream.indirect.gather [hbm4b:s3+s8], $0x40, s29, s8, $0xb8;
	[tilespmem:$0x16400] =	vst v63  }
0x28: {  	s31 =	sadd.s32 $0x300, s23;
	s30 =	sadd.s32 $0xA400, s22  }
0x29: {  	[tilespmem:s30], [sflag:$0x1] =	stream.indirect.gather [hbm4b:s3+s8], $0x40, s31, s8, $0xb8;
	[tilespmem:$0x16400] =	vst v63  }
0x2a: {  	s23 =	sadd.s32 $0x380, s23;
	s22 =	sadd.s32 $0xC400, s22  }
0x2b: {  	[tilespmem:s22], [sflag:$0x1] =	stream.indirect.gather [hbm4b:s3+s8], $0x40, s23, s8, $0xb8;
	[tilespmem:$0x16400] =	vst v63  }
.LBB2_6:
0x2c: {  	s18 =	sadd.s32 $0x800, s18  }
0x2d: {  	p0 =	sne.s32 s18, $0x19000  }
.Ltmp3:
0x2e: {  	_ =	swait.ge [sflag:s15], $0x8000;
	(pc) =	sbr.rel @!p0 .LBB2_7-.Ltmp3, $4  }
0x2f: {  	s22 =	sand.u32 $0x8000, s20;
	[sflag:s15] =	ssyncset.done $0x0  }
0x30: {  	s22 =	sor.u32 $0x6400, s22;
	[sflag:s15] =	ssyncadd.s32 $0xFFFF8000  }
0x31: {  	[hbm4b:s19+s2] =	stream.linear.scatter [tilespmem:s22], [sflag:$0x2], $0x8000, $0x38;
	[tilespmem:$0x16400] =	vst v63  }
0x32: {  	s20 =	sadd.s32 $0x8000, s20;
	s21 =	sadd.s32 $0x1, s21;
	s19 =	sadd.s32 $0x1000, s19  }
.LBB2_2:
0x33: {  	p0 =	seq.s32 s21, $0x0  }
.Ltmp4:
0x34: {  	_ = 	snop;
	(pc) =	sbr.rel @p0 .LBB2_5-.Ltmp4, $1  }
0x35: {  	_ =	sdelay $0x3  }
0x36: {  	p0 =	seq.s32 s21, $0x31  }
.Ltmp5:
0x37: {  	_ = 	snop;
	(pc) =	sbr.rel @p0 .LBB2_6-.Ltmp5, $1  }
0x38: {  	_ =	sdelay $0x3  }
.Ltmp6:
0x39: {  	(pc) =	sbr.rel .LBB2_5-.Ltmp6, $4  }
0x3a: {  	_ = 	snop  }
0x3b: {  	_ =	swait.ge [sflag:s16], $0x8000  }
0x3c: {  	[sflag:s16] =	ssyncset.done $0x0  }
0x3d: {  	[sflag:s16] =	ssyncadd.s32 $0xFFFF8000  }
.LBB2_8:
0x3e: {  	_ =	sfence.sel $0x180000  }
0x3f: {  	[bflag:$0x0] =	sbarrier.arrive $0xFFFF  }
0x40: {  	p0 =	sne.s32 s1, $0x0;
	_ =	strace $0x90000047  }
0x41: {  	s0 =	sadd.s32 @!p0 $0x100000, s0;
	[bflag:$0x2] =	sbarrier.arrive $0xFFFF  }
0x42: {  	[sflag:s0] =	ssyncadd.tile.s32 @!p0 $0x1;
	_ =	shalt  }
.Lfunc_end2:
_tile_overlayer_lowered:
.L_overlay_start_2:
0x43: {  	(tag) =	ssettag $0x2  }
0x44: {  	s0 =	rddreg [dreg:$0x0];
	s2 =	stileid.u32  }
0x45: {  	s1 =	rddreg [dreg:$0x1];
	p0 =	sne.s32 s2, $0x0  }
0x46: {  	s3 =	rddreg [dreg:$0x2];
	[bflag:$0x3] =	sbarrier.arrive $0xFFFF;
	s2 =	simm.s32 @!p0 $0x1C03  }
0x47: {  	[timem:s3], [sflag:s2] =	dma.local @!p0 [hbm:s0], s1  }
0x48: {  	s0 =	simm.s32 @!p0 $0x3  }
0x49: {  	_ =	swait.ge @!p0 [sflag:s0], s1  }
0x4a: {  	s1 =	ssub.s32 @!p0 $0x0, s1;
	[sflag:s0] =	ssyncset.done @!p0 $0x0  }
0x4b: {  	[sflag:s0] =	ssyncadd.s32 @!p0 s1  }
0x4c: {  	[bflag:$0x3] =	sbarrier.arrive $0xFFFF  }
0x4d: {  	_ =	shalt  }

</sc_bundles>
